<compile_context>
chip_gen: v7x
topology: tpu7x:2x2x1
jax: 0.10.2.dev20260603
libtpu: 0.0.44.dev20260713+nightly
codegen_flags: <defaults>
</compile_context>

<pallas_src>
import functools

import jax
import jax.numpy as jnp
from jax import lax
from jax.experimental import pallas as pl
from jax.experimental.pallas import tpu as pltpu
from jax.experimental.pallas import tpu_sc as plsc

NC, NS = 2, 16
NW = NC * NS


def _sc_gather_add(ta, tb, ia, ib, dim, ch=64, nbuf=4):
    n = ia.shape[0]
    per_w = n // NW
    n_ch = per_w // ch
    n_grp = n_ch // nbuf
    assert per_w % ch == 0 and n_ch % nbuf == 0
    has_ib = ib is not None
    spmem = ta.shape[0] * dim * 8 <= 6 * 2**20
    mesh = plsc.VectorSubcoreMesh(
        core_axis_name="c", subcore_axis_name="s", num_cores=NC, num_subcores=NS
    )

    @functools.partial(
        pl.kernel,
        out_type=jax.ShapeDtypeStruct((n, dim), jnp.float32),
        mesh=mesh,
        scratch_types=[
            [pltpu.VMEM((per_w,), jnp.int32)] * (2 if has_ib else 1),
            [[pltpu.VMEM((ch, dim), jnp.float32)] * nbuf] * 3,
            [pltpu.SemaphoreType.DMA] * nbuf,
            [pltpu.SemaphoreType.DMA] * nbuf,
            [pltpu.VMEM_SHARED(ta.shape, jnp.float32)] * (2 if spmem else 0),
            [pltpu.SemaphoreType.DMA] * (1 if spmem else 0),
        ],
    )
    def k(ta_hbm, tb_hbm, *rest):
        i_hbm = rest[: (2 if has_ib else 1)]
        o_hbm, idx_v, bufs, sem_g, sem_w, shared, sem_t = rest[2 if has_ib else 1 :]
        bufA, bufB, bufO = bufs
        if spmem:
            @pl.when(lax.axis_index("s") == 0)
            def _():
                pltpu.make_async_copy(ta_hbm, shared[0], sem_t[0]).start()
                pltpu.make_async_copy(tb_hbm, shared[1], sem_t[0]).start()
                pltpu.make_async_copy(ta_hbm, shared[0], sem_t[0]).wait()
                pltpu.make_async_copy(tb_hbm, shared[1], sem_t[0]).wait()

            plsc.subcore_barrier()
            ta_src, tb_src = shared[0], shared[1]
        else:
            ta_src, tb_src = ta_hbm, tb_hbm
        wid = lax.axis_index("s") * NC + lax.axis_index("c")
        w_base = wid * per_w

        for t in range(2 if has_ib else 1):
            pltpu.sync_copy(i_hbm[t].at[pl.ds(w_base, per_w)], idx_v[t])

        def _src_b(j):
            if has_ib:
                return tb_src.at[idx_v[1].at[pl.ds(j * ch, ch)]]
            return tb_src.at[pl.ds(w_base + j * ch, ch)]

        def start_gather(s, j):
            pltpu.make_async_copy(
                ta_src.at[idx_v[0].at[pl.ds(j * ch, ch)]], bufA[s], sem_g[s]
            ).start()
            pltpu.make_async_copy(_src_b(j), bufB[s], sem_g[s]).start()

        def wait_gather(s):
            pltpu.make_async_copy(
                ta_src.at[idx_v[0].at[pl.ds(0, ch)]], bufA[s], sem_g[s]
            ).wait()
            pltpu.make_async_copy(_src_b(0), bufB[s], sem_g[s]).wait()

        def start_write(s, j):
            pltpu.make_async_copy(
                bufO[s], o_hbm.at[pl.ds(w_base + j * ch, ch)], sem_w[s]
            ).start()

        def wait_write(s):
            pltpu.make_async_copy(bufO[s], o_hbm.at[pl.ds(0, ch)], sem_w[s]).wait()

        def add(s):
            @pl.loop(0, ch)
            def _(r):
                for kk in range(dim // 16):
                    sl = pl.ds(kk * 16, 16)
                    bufO[s][r, sl] = bufA[s][r, sl] + bufB[s][r, sl]

        for s in range(nbuf):
            start_gather(s, s)

        @pl.loop(0, n_grp)
        def _(grp):
            g0 = grp * nbuf
            for s in range(nbuf):
                wait_gather(s)

                @pl.when(grp > 0)
                def _():
                    wait_write(s)

                add(s)
                start_write(s, g0 + s)

                @pl.when(grp < n_grp - 1)
                def _():
                    start_gather(s, g0 + nbuf + s)

        for s in range(nbuf):
            wait_write(s)

    return k(ta, tb, ia, ib) if has_ib else k(ta, tb, ia)


def kernel(seqs, d, c, u, Wd, Wc, Wu):
    B, L, U = seqs.shape
    BL = B * L
    dd = Wd.shape[1]

    def t_flat(i2d):
        return i2d.reshape(B, L).astype(jnp.int32).T.reshape(BL)

    u_idx = t_flat(u)
    d_idx = t_flat(d)
    c_idx = t_flat(c)
    WdP = jnp.pad(Wd, ((0, 0), (0, U - dd)))
    WcP = jnp.pad(Wc, ((0, 0), (dd, 0)))

    seqs_t = seqs.transpose(1, 0, 2).reshape(BL, U)
    seqs_u = _sc_gather_add(Wu, seqs_t, u_idx, None, U, ch=128, nbuf=2)
    d_c = _sc_gather_add(WdP, WcP, d_idx, c_idx, U)

    def untranspose(flat):
        return flat.reshape(L, B, U).transpose(1, 0, 2)

    return untranspose(seqs_u), untranspose(d_c)

# --- scband reference (transcript-rebuilt; emitter-appended) ---
"""Pipeline reference for scband-syntax-positional-embedding-35433480192750 (READ-ONLY COPY).

The authoritative reference and input builder live on the scoring server;
editing this copy changes nothing except your own understanding.
"""

import jax, jax.numpy as jnp
import numpy as np

B, L = 4096, 50
D_VOCAB, C_VOCAB, U_VOCAB = 1000, 1000, 100000
D_DIM, C_DIM, U_DIM = 64, 64, 128


def setup_inputs(seed: int = 0) -> dict:
    key = jax.random.key(seed)
    ks = jax.random.split(key, 7)
    seqs = jax.random.normal(ks[0], (B, L, U_DIM), dtype=jnp.float32)
    d = jax.random.randint(ks[1], (B, L), 0, D_VOCAB, dtype=jnp.int64 if jax.config.jax_enable_x64 else jnp.int32)
    c = jax.random.randint(ks[2], (B, L), 0, C_VOCAB, dtype=jnp.int64 if jax.config.jax_enable_x64 else jnp.int32)
    u = jax.random.randint(ks[3], (B, L), 0, U_VOCAB, dtype=jnp.int64 if jax.config.jax_enable_x64 else jnp.int32)
    Wd = jax.random.normal(ks[4], (D_VOCAB, D_DIM), dtype=jnp.float32) * 0.02
    Wc = jax.random.normal(ks[5], (C_VOCAB, C_DIM), dtype=jnp.float32) * 0.02
    Wu = jax.random.normal(ks[6], (U_VOCAB, U_DIM), dtype=jnp.float32) * 0.02
    # padding_idx=0 semantics: padding row is all zeros
    Wd = Wd.at[0].set(0.0)
    Wc = Wc.at[0].set(0.0)
    Wu = Wu.at[0].set(0.0)
    return {"seqs": seqs, "d": d, "c": c, "u": u, "Wd": Wd, "Wc": Wc, "Wu": Wu}


def reference(seqs, d, c, u, Wd, Wc, Wu):
    # nn.Embedding lookups (padding rows are zero by construction)
    de = jnp.take(Wd, d, axis=0)
    ce = jnp.take(Wc, c, axis=0)
    ue = jnp.take(Wu, u, axis=0)
    seqs_u = seqs + ue
    d_c = jnp.concatenate((de, ce), axis=2)
    return seqs_u, d_c

if __name__ == "__main__":
    import jax
    _d = setup_inputs()
    print(jax.jit(kernel)(*tuple(_d.values())))

</pallas_src>

<mosaic_0001>
#map = affine_map<(d0, d1) -> (0, 0)>
#map1 = affine_map<(d0, d1) -> (0)>
module attributes {stable_mosaic.version = 14 : i64} {
  func.func @k(%arg0: i32, %arg1: i32, %arg2: memref<1000x128xf32, #tpu.memory_space<hbm>>, %arg3: memref<1000x128xf32, #tpu.memory_space<hbm>>, %arg4: memref<204800xi32, #tpu.memory_space<hbm>>, %arg5: memref<204800xi32, #tpu.memory_space<hbm>>, %arg6: memref<204800x128xf32, #tpu.memory_space<hbm>>, %arg7: memref<6400xi32, #tpu.memory_space<vmem>>, %arg8: memref<6400xi32, #tpu.memory_space<vmem>>, %arg9: memref<64x128xf32, #tpu.memory_space<vmem>>, %arg10: memref<64x128xf32, #tpu.memory_space<vmem>>, %arg11: memref<64x128xf32, #tpu.memory_space<vmem>>, %arg12: memref<64x128xf32, #tpu.memory_space<vmem>>, %arg13: memref<64x128xf32, #tpu.memory_space<vmem>>, %arg14: memref<64x128xf32, #tpu.memory_space<vmem>>, %arg15: memref<64x128xf32, #tpu.memory_space<vmem>>, %arg16: memref<64x128xf32, #tpu.memory_space<vmem>>, %arg17: memref<64x128xf32, #tpu.memory_space<vmem>>, %arg18: memref<64x128xf32, #tpu.memory_space<vmem>>, %arg19: memref<64x128xf32, #tpu.memory_space<vmem>>, %arg20: memref<64x128xf32, #tpu.memory_space<vmem>>, %arg21: memref<!tpu.dma_semaphore, #tpu.memory_space<semaphore_mem>>, %arg22: memref<!tpu.dma_semaphore, #tpu.memory_space<semaphore_mem>>, %arg23: memref<!tpu.dma_semaphore, #tpu.memory_space<semaphore_mem>>, %arg24: memref<!tpu.dma_semaphore, #tpu.memory_space<semaphore_mem>>, %arg25: memref<!tpu.dma_semaphore, #tpu.memory_space<semaphore_mem>>, %arg26: memref<!tpu.dma_semaphore, #tpu.memory_space<semaphore_mem>>, %arg27: memref<!tpu.dma_semaphore, #tpu.memory_space<semaphore_mem>>, %arg28: memref<!tpu.dma_semaphore, #tpu.memory_space<semaphore_mem>>, %arg29: memref<1000x128xf32, #tpu.memory_space<vmem_shared>>, %arg30: memref<1000x128xf32, #tpu.memory_space<vmem_shared>>, %arg31: memref<!tpu.dma_semaphore, #tpu.memory_space<semaphore_mem>>) attributes {dimension_semantics = [#tpu.dimension_semantics<core_parallel>, #tpu.dimension_semantics<subcore_parallel>], iteration_bounds = array<i64: 2, 16>, scalar_prefetch = 0 : i64, scratch_operands = 25 : i64, tpu.core_type = #tpu.core_type<sc_vector_subcore>, window_params = [{transform_indices = #map}, {transform_indices = #map}, {transform_indices = #map1}, {transform_indices = #map1}, {transform_indices = #map}]} {
    %eq3A = arith.constant 0 : i32
    %eq3A_0 = arith.cmpi eq, %arg1, %eq3A : i32
    %convert_element_type3A = arith.extui %eq3A_0 : i1 to i32
    %cond3A = arith.constant 0 : i32
    %cond3A_1 = arith.cmpi ne, %convert_element_type3A, %cond3A : i32
    scf.if %cond3A_1 {
      tpu.enqueue_dma source(%arg2 : memref<1000x128xf32, #tpu.memory_space<hbm>>) target(%arg29 : memref<1000x128xf32, #tpu.memory_space<vmem_shared>>) target_semaphore(%arg31 : memref<!tpu.dma_semaphore, #tpu.memory_space<semaphore_mem>>)
      tpu.enqueue_dma source(%arg3 : memref<1000x128xf32, #tpu.memory_space<hbm>>) target(%arg30 : memref<1000x128xf32, #tpu.memory_space<vmem_shared>>) target_semaphore(%arg31 : memref<!tpu.dma_semaphore, #tpu.memory_space<semaphore_mem>>)
      tpu.wait_dma2 semaphore(%arg31 : memref<!tpu.dma_semaphore, #tpu.memory_space<semaphore_mem>>) src(%arg2 : memref<1000x128xf32, #tpu.memory_space<hbm>>) dst(%arg29 : memref<1000x128xf32, #tpu.memory_space<vmem_shared>>)
      tpu.wait_dma2 semaphore(%arg31 : memref<!tpu.dma_semaphore, #tpu.memory_space<semaphore_mem>>) src(%arg3 : memref<1000x128xf32, #tpu.memory_space<hbm>>) dst(%arg30 : memref<1000x128xf32, #tpu.memory_space<vmem_shared>>)
    } else {
    }
    %barrier3A = arith.constant 0 : index
    tpu.barrier barrier_id(%barrier3A)
    %mul3A = arith.constant 2 : i32
    %mul3A_2 = arith.muli %arg1, %mul3A : i32
    %add3A = arith.addi %mul3A_2, %arg0 : i32
    %mul3A_3 = arith.constant 6400 : i32
    %mul3A_4 = arith.muli %add3A, %mul3A_3 : i32
    "tpu.region"() ({
      %run_scoped3A = tpu.sem_alloc : memref<!tpu.dma_semaphore, #tpu.memory_space<semaphore_mem>>
      %dma_start3A_71 = tpu.memref_slice %arg4[%mul3A_4] : memref<204800xi32, #tpu.memory_space<hbm>> -> memref<6400xi32, #tpu.memory_space<hbm>>
      %dma_start3A_72 = tpu.memref_slice %arg4[%mul3A_4] : memref<204800xi32, #tpu.memory_space<hbm>> -> memref<6400xi32, #tpu.memory_space<hbm>>
      tpu.enqueue_dma source(%dma_start3A_72 : memref<6400xi32, #tpu.memory_space<hbm>>) target(%arg7 : memref<6400xi32, #tpu.memory_space<vmem>>) target_semaphore(%run_scoped3A : memref<!tpu.dma_semaphore, #tpu.memory_space<semaphore_mem>>)
      %dma_wait3A_73 = tpu.memref_slice %arg4[%mul3A_4] : memref<204800xi32, #tpu.memory_space<hbm>> -> memref<6400xi32, #tpu.memory_space<hbm>>
      %dma_wait3A_74 = tpu.memref_slice %arg4[%mul3A_4] : memref<204800xi32, #tpu.memory_space<hbm>> -> memref<6400xi32, #tpu.memory_space<hbm>>
      tpu.wait_dma2 semaphore(%run_scoped3A : memref<!tpu.dma_semaphore, #tpu.memory_space<semaphore_mem>>) src(%dma_wait3A_74 : memref<6400xi32, #tpu.memory_space<hbm>>) dst(%arg7 : memref<6400xi32, #tpu.memory_space<vmem>>)
      tpu.yield
    }) : () -> ()
    "tpu.region"() ({
      %run_scoped3A = tpu.sem_alloc : memref<!tpu.dma_semaphore, #tpu.memory_space<semaphore_mem>>
      %dma_start3A_71 = tpu.memref_slice %arg5[%mul3A_4] : memref<204800xi32, #tpu.memory_space<hbm>> -> memref<6400xi32, #tpu.memory_space<hbm>>
      %dma_start3A_72 = tpu.memref_slice %arg5[%mul3A_4] : memref<204800xi32, #tpu.memory_space<hbm>> -> memref<6400xi32, #tpu.memory_space<hbm>>
      tpu.enqueue_dma source(%dma_start3A_72 : memref<6400xi32, #tpu.memory_space<hbm>>) target(%arg8 : memref<6400xi32, #tpu.memory_space<vmem>>) target_semaphore(%run_scoped3A : memref<!tpu.dma_semaphore, #tpu.memory_space<semaphore_mem>>)
      %dma_wait3A_73 = tpu.memref_slice %arg5[%mul3A_4] : memref<204800xi32, #tpu.memory_space<hbm>> -> memref<6400xi32, #tpu.memory_space<hbm>>
      %dma_wait3A_74 = tpu.memref_slice %arg5[%mul3A_4] : memref<204800xi32, #tpu.memory_space<hbm>> -> memref<6400xi32, #tpu.memory_space<hbm>>
      tpu.wait_dma2 semaphore(%run_scoped3A : memref<!tpu.dma_semaphore, #tpu.memory_space<semaphore_mem>>) src(%dma_wait3A_74 : memref<6400xi32, #tpu.memory_space<hbm>>) dst(%arg8 : memref<6400xi32, #tpu.memory_space<vmem>>)
      tpu.yield
    }) : () -> ()
    %dma_start3A = arith.constant 0 : i32
    %dma_start3A_5 = tpu.memref_slice %arg7[%dma_start3A] : memref<6400xi32, #tpu.memory_space<vmem>> -> memref<64xi32, #tpu.memory_space<vmem>>
    %dma_start3A_6 = arith.constant 0 : i32
    %dma_start3A_7 = arith.constant 0 : i32
    %dma_start3A_8 = tpu.memref_slice %arg29[%dma_start3A_6, %dma_start3A_7] : memref<1000x128xf32, #tpu.memory_space<vmem_shared>> -> memref<1000x128xf32, #tpu.memory_space<vmem_shared>>
    tpu.enqueue_indirect_dma source(%dma_start3A_8 : memref<1000x128xf32, #tpu.memory_space<vmem_shared>>) target(%arg9 : memref<64x128xf32, #tpu.memory_space<vmem>>) offsets(%dma_start3A_5 : memref<64xi32, #tpu.memory_space<vmem>>) semaphore(%arg21 : memref<!tpu.dma_semaphore, #tpu.memory_space<semaphore_mem>>)
    %dma_start3A_9 = arith.constant 0 : i32
    %dma_start3A_10 = tpu.memref_slice %arg8[%dma_start3A_9] : memref<6400xi32, #tpu.memory_space<vmem>> -> memref<64xi32, #tpu.memory_space<vmem>>
    %dma_start3A_11 = arith.constant 0 : i32
    %dma_start3A_12 = arith.constant 0 : i32
    %dma_start3A_13 = tpu.memref_slice %arg30[%dma_start3A_11, %dma_start3A_12] : memref<1000x128xf32, #tpu.memory_space<vmem_shared>> -> memref<1000x128xf32, #tpu.memory_space<vmem_shared>>
    tpu.enqueue_indirect_dma source(%dma_start3A_13 : memref<1000x128xf32, #tpu.memory_space<vmem_shared>>) target(%arg13 : memref<64x128xf32, #tpu.memory_space<vmem>>) offsets(%dma_start3A_10 : memref<64xi32, #tpu.memory_space<vmem>>) semaphore(%arg21 : memref<!tpu.dma_semaphore, #tpu.memory_space<semaphore_mem>>)
    %dma_start3A_14 = arith.constant 64 : i32
    %dma_start3A_15 = tpu.memref_slice %arg7[%dma_start3A_14] : memref<6400xi32, #tpu.memory_space<vmem>> -> memref<64xi32, #tpu.memory_space<vmem>>
    %dma_start3A_16 = arith.constant 0 : i32
    %dma_start3A_17 = arith.constant 0 : i32
    %dma_start3A_18 = tpu.memref_slice %arg29[%dma_start3A_16, %dma_start3A_17] : memref<1000x128xf32, #tpu.memory_space<vmem_shared>> -> memref<1000x128xf32, #tpu.memory_space<vmem_shared>>
    tpu.enqueue_indirect_dma source(%dma_start3A_18 : memref<1000x128xf32, #tpu.memory_space<vmem_shared>>) target(%arg10 : memref<64x128xf32, #tpu.memory_space<vmem>>) offsets(%dma_start3A_15 : memref<64xi32, #tpu.memory_space<vmem>>) semaphore(%arg22 : memref<!tpu.dma_semaphore, #tpu.memory_space<semaphore_mem>>)
    %dma_start3A_19 = arith.constant 64 : i32
    %dma_start3A_20 = tpu.memref_slice %arg8[%dma_start3A_19] : memref<6400xi32, #tpu.memory_space<vmem>> -> memref<64xi32, #tpu.memory_space<vmem>>
    %dma_start3A_21 = arith.constant 0 : i32
    %dma_start3A_22 = arith.constant 0 : i32
    %dma_start3A_23 = tpu.memref_slice %arg30[%dma_start3A_21, %dma_start3A_22] : memref<1000x128xf32, #tpu.memory_space<vmem_shared>> -> memref<1000x128xf32, #tpu.memory_space<vmem_shared>>
    tpu.enqueue_indirect_dma source(%dma_start3A_23 : memref<1000x128xf32, #tpu.memory_space<vmem_shared>>) target(%arg14 : memref<64x128xf32, #tpu.memory_space<vmem>>) offsets(%dma_start3A_20 : memref<64xi32, #tpu.memory_space<vmem>>) semaphore(%arg22 : memref<!tpu.dma_semaphore, #tpu.memory_space<semaphore_mem>>)
    %dma_start3A_24 = arith.constant 128 : i32
    %dma_start3A_25 = tpu.memref_slice %arg7[%dma_start3A_24] : memref<6400xi32, #tpu.memory_space<vmem>> -> memref<64xi32, #tpu.memory_space<vmem>>
    %dma_start3A_26 = arith.constant 0 : i32
    %dma_start3A_27 = arith.constant 0 : i32
    %dma_start3A_28 = tpu.memref_slice %arg29[%dma_start3A_26, %dma_start3A_27] : memref<1000x128xf32, #tpu.memory_space<vmem_shared>> -> memref<1000x128xf32, #tpu.memory_space<vmem_shared>>
    tpu.enqueue_indirect_dma source(%dma_start3A_28 : memref<1000x128xf32, #tpu.memory_space<vmem_shared>>) target(%arg11 : memref<64x128xf32, #tpu.memory_space<vmem>>) offsets(%dma_start3A_25 : memref<64xi32, #tpu.memory_space<vmem>>) semaphore(%arg23 : memref<!tpu.dma_semaphore, #tpu.memory_space<semaphore_mem>>)
    %dma_start3A_29 = arith.constant 128 : i32
    %dma_start3A_30 = tpu.memref_slice %arg8[%dma_start3A_29] : memref<6400xi32, #tpu.memory_space<vmem>> -> memref<64xi32, #tpu.memory_space<vmem>>
    %dma_start3A_31 = arith.constant 0 : i32
    %dma_start3A_32 = arith.constant 0 : i32
    %dma_start3A_33 = tpu.memref_slice %arg30[%dma_start3A_31, %dma_start3A_32] : memref<1000x128xf32, #tpu.memory_space<vmem_shared>> -> memref<1000x128xf32, #tpu.memory_space<vmem_shared>>
    tpu.enqueue_indirect_dma source(%dma_start3A_33 : memref<1000x128xf32, #tpu.memory_space<vmem_shared>>) target(%arg15 : memref<64x128xf32, #tpu.memory_space<vmem>>) offsets(%dma_start3A_30 : memref<64xi32, #tpu.memory_space<vmem>>) semaphore(%arg23 : memref<!tpu.dma_semaphore, #tpu.memory_space<semaphore_mem>>)
    %dma_start3A_34 = arith.constant 192 : i32
    %dma_start3A_35 = tpu.memref_slice %arg7[%dma_start3A_34] : memref<6400xi32, #tpu.memory_space<vmem>> -> memref<64xi32, #tpu.memory_space<vmem>>
    %dma_start3A_36 = arith.constant 0 : i32
    %dma_start3A_37 = arith.constant 0 : i32
    %dma_start3A_38 = tpu.memref_slice %arg29[%dma_start3A_36, %dma_start3A_37] : memref<1000x128xf32, #tpu.memory_space<vmem_shared>> -> memref<1000x128xf32, #tpu.memory_space<vmem_shared>>
    tpu.enqueue_indirect_dma source(%dma_start3A_38 : memref<1000x128xf32, #tpu.memory_space<vmem_shared>>) target(%arg12 : memref<64x128xf32, #tpu.memory_space<vmem>>) offsets(%dma_start3A_35 : memref<64xi32, #tpu.memory_space<vmem>>) semaphore(%arg24 : memref<!tpu.dma_semaphore, #tpu.memory_space<semaphore_mem>>)
    %dma_start3A_39 = arith.constant 192 : i32
    %dma_start3A_40 = tpu.memref_slice %arg8[%dma_start3A_39] : memref<6400xi32, #tpu.memory_space<vmem>> -> memref<64xi32, #tpu.memory_space<vmem>>
    %dma_start3A_41 = arith.constant 0 : i32
    %dma_start3A_42 = arith.constant 0 : i32
    %dma_start3A_43 = tpu.memref_slice %arg30[%dma_start3A_41, %dma_start3A_42] : memref<1000x128xf32, #tpu.memory_space<vmem_shared>> -> memref<1000x128xf32, #tpu.memory_space<vmem_shared>>
    tpu.enqueue_indirect_dma source(%dma_start3A_43 : memref<1000x128xf32, #tpu.memory_space<vmem_shared>>) target(%arg16 : memref<64x128xf32, #tpu.memory_space<vmem>>) offsets(%dma_start3A_40 : memref<64xi32, #tpu.memory_space<vmem>>) semaphore(%arg24 : memref<!tpu.dma_semaphore, #tpu.memory_space<semaphore_mem>>)
    %scan3A = arith.constant 0 : i32
    %scan3A_44 = arith.constant 25 : i32
    %scan3A_45 = arith.addi %scan3A, %scan3A_44 : i32
    %scan3A_46 = arith.constant 1 : i32
    scf.for %scan3A_71 = %scan3A to %scan3A_45 step %scan3A_46  : i32 {
      %mul3A_72 = arith.constant 1 : i32
      %mul3A_73 = arith.muli %scan3A_71, %mul3A_72 : i32
      %add3A_74 = arith.constant 0 : i32
      %add3A_75 = arith.addi %add3A_74, %mul3A_73 : i32
      %mul3A_76 = arith.constant 4 : i32
      %mul3A_77 = arith.muli %add3A_75, %mul3A_76 : i32
      %dma_wait3A_78 = arith.constant 0 : i32
      %dma_wait3A_79 = tpu.memref_slice %arg7[%dma_wait3A_78] : memref<6400xi32, #tpu.memory_space<vmem>> -> memref<64xi32, #tpu.memory_space<vmem>>
      %dma_wait3A_80 = arith.constant 0 : i32
      %dma_wait3A_81 = arith.constant 0 : i32
      %dma_wait3A_82 = tpu.memref_slice %arg29[%dma_wait3A_80, %dma_wait3A_81] : memref<1000x128xf32, #tpu.memory_space<vmem_shared>> -> memref<1000x128xf32, #tpu.memory_space<vmem_shared>>
      tpu.wait_indirect_dma semaphore(%arg21 : memref<!tpu.dma_semaphore, #tpu.memory_space<semaphore_mem>>) src(%dma_wait3A_82 : memref<1000x128xf32, #tpu.memory_space<vmem_shared>>) dst(%arg9 : memref<64x128xf32, #tpu.memory_space<vmem>>)
      %dma_wait3A_83 = arith.constant 0 : i32
      %dma_wait3A_84 = tpu.memref_slice %arg8[%dma_wait3A_83] : memref<6400xi32, #tpu.memory_space<vmem>> -> memref<64xi32, #tpu.memory_space<vmem>>
      %dma_wait3A_85 = arith.constant 0 : i32
      %dma_wait3A_86 = arith.constant 0 : i32
      %dma_wait3A_87 = tpu.memref_slice %arg30[%dma_wait3A_85, %dma_wait3A_86] : memref<1000x128xf32, #tpu.memory_space<vmem_shared>> -> memref<1000x128xf32, #tpu.memory_space<vmem_shared>>
      tpu.wait_indirect_dma semaphore(%arg21 : memref<!tpu.dma_semaphore, #tpu.memory_space<semaphore_mem>>) src(%dma_wait3A_87 : memref<1000x128xf32, #tpu.memory_space<vmem_shared>>) dst(%arg13 : memref<64x128xf32, #tpu.memory_space<vmem>>)
      %gt3A = arith.constant 0 : i32
      %gt3A_88 = arith.cmpi sgt, %add3A_75, %gt3A : i32
      %convert_element_type3A_89 = arith.extui %gt3A_88 : i1 to i32
      %cond3A_90 = arith.constant 0 : i32
      %cond3A_91 = arith.cmpi ne, %convert_element_type3A_89, %cond3A_90 : i32
      scf.if %cond3A_91 {
        %dma_wait3A_212 = arith.constant 0 : i32
        %dma_wait3A_213 = arith.constant 0 : i32
        %dma_wait3A_214 = tpu.memref_slice %arg6[%dma_wait3A_212, %dma_wait3A_213] : memref<204800x128xf32, #tpu.memory_space<hbm>> -> memref<64x128xf32, #tpu.memory_space<hbm>>
        %dma_wait3A_215 = arith.constant 0 : i32
        %dma_wait3A_216 = arith.constant 0 : i32
        %dma_wait3A_217 = tpu.memref_slice %arg6[%dma_wait3A_215, %dma_wait3A_216] : memref<204800x128xf32, #tpu.memory_space<hbm>> -> memref<64x128xf32, #tpu.memory_space<hbm>>
        tpu.wait_dma2 semaphore(%arg25 : memref<!tpu.dma_semaphore, #tpu.memory_space<semaphore_mem>>) src(%arg17 : memref<64x128xf32, #tpu.memory_space<vmem>>) dst(%dma_wait3A_217 : memref<64x128xf32, #tpu.memory_space<hbm>>)
      } else {
      }
      %scan3A_92 = arith.constant 0 : i32
      %scan3A_93 = arith.constant 64 : i32
      %scan3A_94 = arith.addi %scan3A_92, %scan3A_93 : i32
      %scan3A_95 = arith.constant 1 : i32
      scf.for %scan3A_212 = %scan3A_92 to %scan3A_94 step %scan3A_95  : i32 {
        %mul3A_213 = arith.constant 1 : i32
        %mul3A_214 = arith.muli %scan3A_212, %mul3A_213 : i32
        %add3A_215 = arith.constant 0 : i32
        %add3A_216 = arith.addi %add3A_215, %mul3A_214 : i32
        %get3A = arith.index_cast %add3A_216 : i32 to index
        %get3A_217 = arith.constant 0 : index
        %get3A_218 = tpu.vector_load %arg9[%get3A, %get3A_217] {strides = array<i32>} : memref<64x128xf32, #tpu.memory_space<vmem>>, vector<1x16xf32>,
        %get3A_219 = vector.shape_cast %get3A_218 : vector<1x16xf32> to vector<16xf32>
        %get3A_220 = arith.index_cast %add3A_216 : i32 to index
        %get3A_221 = arith.constant 0 : index
        %get3A_222 = tpu.vector_load %arg13[%get3A_220, %get3A_221] {strides = array<i32>} : memref<64x128xf32, #tpu.memory_space<vmem>>, vector<1x16xf32>,
        %get3A_223 = vector.shape_cast %get3A_222 : vector<1x16xf32> to vector<16xf32>
        %add3A_224 = arith.addf %get3A_219, %get3A_223 : vector<16xf32>
        %swap3A = arith.index_cast %add3A_216 : i32 to index
        %swap3A_225 = arith.constant 0 : index
        %swap3A_226 = tpu.vector_load %arg17[%swap3A, %swap3A_225] {strides = array<i32>} : memref<64x128xf32, #tpu.memory_space<vmem>>, vector<1x16xf32>,
        %swap3A_227 = vector.shape_cast %swap3A_226 : vector<1x16xf32> to vector<16xf32>
        %swap3A_228 = vector.shape_cast %add3A_224 : vector<16xf32> to vector<1x16xf32>
        tpu.vector_store %arg17[%swap3A, %swap3A_225], %swap3A_228 {strides = array<i32>} : memref<64x128xf32, #tpu.memory_space<vmem>>, vector<1x16xf32>,
        %get3A_229 = arith.index_cast %add3A_216 : i32 to index
        %get3A_230 = arith.constant 16 : index
        %get3A_231 = tpu.vector_load %arg9[%get3A_229, %get3A_230] {strides = array<i32>} : memref<64x128xf32, #tpu.memory_space<vmem>>, vector<1x16xf32>,
        %get3A_232 = vector.shape_cast %get3A_231 : vector<1x16xf32> to vector<16xf32>
        %get3A_233 = arith.index_cast %add3A_216 : i32 to index
        %get3A_234 = arith.constant 16 : index
        %get3A_235 = tpu.vector_load %arg13[%get3A_233, %get3A_234] {strides = array<i32>} : memref<64x128xf32, #tpu.memory_space<vmem>>, vector<1x16xf32>,
        %get3A_236 = vector.shape_cast %get3A_235 : vector<1x16xf32> to vector<16xf32>
        %add3A_237 = arith.addf %get3A_232, %get3A_236 : vector<16xf32>
        %swap3A_238 = arith.index_cast %add3A_216 : i32 to index
        %swap3A_239 = arith.constant 16 : index
        %swap3A_240 = tpu.vector_load %arg17[%swap3A_238, %swap3A_239] {strides = array<i32>} : memref<64x128xf32, #tpu.memory_space<vmem>>, vector<1x16xf32>,
        %swap3A_241 = vector.shape_cast %swap3A_240 : vector<1x16xf32> to vector<16xf32>
        %swap3A_242 = vector.shape_cast %add3A_237 : vector<16xf32> to vector<1x16xf32>
        tpu.vector_store %arg17[%swap3A_238, %swap3A_239], %swap3A_242 {strides = array<i32>} : memref<64x128xf32, #tpu.memory_space<vmem>>, vector<1x16xf32>,
        %get3A_243 = arith.index_cast %add3A_216 : i32 to index
        %get3A_244 = arith.constant 32 : index
        %get3A_245 = tpu.vector_load %arg9[%get3A_243, %get3A_244] {strides = array<i32>} : memref<64x128xf32, #tpu.memory_space<vmem>>, vector<1x16xf32>,
        %get3A_246 = vector.shape_cast %get3A_245 : vector<1x16xf32> to vector<16xf32>
        %get3A_247 = arith.index_cast %add3A_216 : i32 to index
        %get3A_248 = arith.constant 32 : index
        %get3A_249 = tpu.vector_load %arg13[%get3A_247, %get3A_248] {strides = array<i32>} : memref<64x128xf32, #tpu.memory_space<vmem>>, vector<1x16xf32>,
        %get3A_250 = vector.shape_cast %get3A_249 : vector<1x16xf32> to vector<16xf32>
        %add3A_251 = arith.addf %get3A_246, %get3A_250 : vector<16xf32>
        %swap3A_252 = arith.index_cast %add3A_216 : i32 to index
        %swap3A_253 = arith.constant 32 : index
        %swap3A_254 = tpu.vector_load %arg17[%swap3A_252, %swap3A_253] {strides = array<i32>} : memref<64x128xf32, #tpu.memory_space<vmem>>, vector<1x16xf32>,
        %swap3A_255 = vector.shape_cast %swap3A_254 : vector<1x16xf32> to vector<16xf32>
        %swap3A_256 = vector.shape_cast %add3A_251 : vector<16xf32> to vector<1x16xf32>
        tpu.vector_store %arg17[%swap3A_252, %swap3A_253], %swap3A_256 {strides = array<i32>} : memref<64x128xf32, #tpu.memory_space<vmem>>, vector<1x16xf32>,
        %get3A_257 = arith.index_cast %add3A_216 : i32 to index
        %get3A_258 = arith.constant 48 : index
        %get3A_259 = tpu.vector_load %arg9[%get3A_257, %get3A_258] {strides = array<i32>} : memref<64x128xf32, #tpu.memory_space<vmem>>, vector<1x16xf32>,
        %get3A_260 = vector.shape_cast %get3A_259 : vector<1x16xf32> to vector<16xf32>
        %get3A_261 = arith.index_cast %add3A_216 : i32 to index
        %get3A_262 = arith.constant 48 : index
        %get3A_263 = tpu.vector_load %arg13[%get3A_261, %get3A_262] {strides = array<i32>} : memref<64x128xf32, #tpu.memory_space<vmem>>, vector<1x16xf32>,
        %get3A_264 = vector.shape_cast %get3A_263 : vector<1x16xf32> to vector<16xf32>
        %add3A_265 = arith.addf %get3A_260, %get3A_264 : vector<16xf32>
        %swap3A_266 = arith.index_cast %add3A_216 : i32 to index
        %swap3A_267 = arith.constant 48 : index
        %swap3A_268 = tpu.vector_load %arg17[%swap3A_266, %swap3A_267] {strides = array<i32>} : memref<64x128xf32, #tpu.memory_space<vmem>>, vector<1x16xf32>,
        %swap3A_269 = vector.shape_cast %swap3A_268 : vector<1x16xf32> to vector<16xf32>
        %swap3A_270 = vector.shape_cast %add3A_265 : vector<16xf32> to vector<1x16xf32>
        tpu.vector_store %arg17[%swap3A_266, %swap3A_267], %swap3A_270 {strides = array<i32>} : memref<64x128xf32, #tpu.memory_space<vmem>>, vector<1x16xf32>,
        %get3A_271 = arith.index_cast %add3A_216 : i32 to index
        %get3A_272 = arith.constant 64 : index
        %get3A_273 = tpu.vector_load %arg9[%get3A_271, %get3A_272] {strides = array<i32>} : memref<64x128xf32, #tpu.memory_space<vmem>>, vector<1x16xf32>,
        %get3A_274 = vector.shape_cast %get3A_273 : vector<1x16xf32> to vector<16xf32>
        %get3A_275 = arith.index_cast %add3A_216 : i32 to index
        %get3A_276 = arith.constant 64 : index
        %get3A_277 = tpu.vector_load %arg13[%get3A_275, %get3A_276] {strides = array<i32>} : memref<64x128xf32, #tpu.memory_space<vmem>>, vector<1x16xf32>,
        %get3A_278 = vector.shape_cast %get3A_277 : vector<1x16xf32> to vector<16xf32>
        %add3A_279 = arith.addf %get3A_274, %get3A_278 : vector<16xf32>
        %swap3A_280 = arith.index_cast %add3A_216 : i32 to index
        %swap3A_281 = arith.constant 64 : index
        %swap3A_282 = tpu.vector_load %arg17[%swap3A_280, %swap3A_281] {strides = array<i32>} : memref<64x128xf32, #tpu.memory_space<vmem>>, vector<1x16xf32>,
        %swap3A_283 = vector.shape_cast %swap3A_282 : vector<1x16xf32> to vector<16xf32>
        %swap3A_284 = vector.shape_cast %add3A_279 : vector<16xf32> to vector<1x16xf32>
        tpu.vector_store %arg17[%swap3A_280, %swap3A_281], %swap3A_284 {strides = array<i32>} : memref<64x128xf32, #tpu.memory_space<vmem>>, vector<1x16xf32>,
        %get3A_285 = arith.index_cast %add3A_216 : i32 to index
        %get3A_286 = arith.constant 80 : index
        %get3A_287 = tpu.vector_load %arg9[%get3A_285, %get3A_286] {strides = array<i32>} : memref<64x128xf32, #tpu.memory_space<vmem>>, vector<1x16xf32>,
        %get3A_288 = vector.shape_cast %get3A_287 : vector<1x16xf32> to vector<16xf32>
        %get3A_289 = arith.index_cast %add3A_216 : i32 to index
        %get3A_290 = arith.constant 80 : index
        %get3A_291 = tpu.vector_load %arg13[%get3A_289, %get3A_290] {strides = array<i32>} : memref<64x128xf32, #tpu.memory_space<vmem>>, vector<1x16xf32>,
        %get3A_292 = vector.shape_cast %get3A_291 : vector<1x16xf32> to vector<16xf32>
        %add3A_293 = arith.addf %get3A_288, %get3A_292 : vector<16xf32>
        %swap3A_294 = arith.index_cast %add3A_216 : i32 to index
        %swap3A_295 = arith.constant 80 : index
        %swap3A_296 = tpu.vector_load %arg17[%swap3A_294, %swap3A_295] {strides = array<i32>} : memref<64x128xf32, #tpu.memory_space<vmem>>, vector<1x16xf32>,
        %swap3A_297 = vector.shape_cast %swap3A_296 : vector<1x16xf32> to vector<16xf32>
        %swap3A_298 = vector.shape_cast %add3A_293 : vector<16xf32> to vector<1x16xf32>
        tpu.vector_store %arg17[%swap3A_294, %swap3A_295], %swap3A_298 {strides = array<i32>} : memref<64x128xf32, #tpu.memory_space<vmem>>, vector<1x16xf32>,
        %get3A_299 = arith.index_cast %add3A_216 : i32 to index
        %get3A_300 = arith.constant 96 : index
        %get3A_301 = tpu.vector_load %arg9[%get3A_299, %get3A_300] {strides = array<i32>} : memref<64x128xf32, #tpu.memory_space<vmem>>, vector<1x16xf32>,
        %get3A_302 = vector.shape_cast %get3A_301 : vector<1x16xf32> to vector<16xf32>
        %get3A_303 = arith.index_cast %add3A_216 : i32 to index
        %get3A_304 = arith.constant 96 : index
        %get3A_305 = tpu.vector_load %arg13[%get3A_303, %get3A_304] {strides = array<i32>} : memref<64x128xf32, #tpu.memory_space<vmem>>, vector<1x16xf32>,
        %get3A_306 = vector.shape_cast %get3A_305 : vector<1x16xf32> to vector<16xf32>
        %add3A_307 = arith.addf %get3A_302, %get3A_306 : vector<16xf32>
        %swap3A_308 = arith.index_cast %add3A_216 : i32 to index
        %swap3A_309 = arith.constant 96 : index
        %swap3A_310 = tpu.vector_load %arg17[%swap3A_308, %swap3A_309] {strides = array<i32>} : memref<64x128xf32, #tpu.memory_space<vmem>>, vector<1x16xf32>,
        %swap3A_311 = vector.shape_cast %swap3A_310 : vector<1x16xf32> to vector<16xf32>
        %swap3A_312 = vector.shape_cast %add3A_307 : vector<16xf32> to vector<1x16xf32>
        tpu.vector_store %arg17[%swap3A_308, %swap3A_309], %swap3A_312 {strides = array<i32>} : memref<64x128xf32, #tpu.memory_space<vmem>>, vector<1x16xf32>,
        %get3A_313 = arith.index_cast %add3A_216 : i32 to index
        %get3A_314 = arith.constant 112 : index
        %get3A_315 = tpu.vector_load %arg9[%get3A_313, %get3A_314] {strides = array<i32>} : memref<64x128xf32, #tpu.memory_space<vmem>>, vector<1x16xf32>,
        %get3A_316 = vector.shape_cast %get3A_315 : vector<1x16xf32> to vector<16xf32>
        %get3A_317 = arith.index_cast %add3A_216 : i32 to index
        %get3A_318 = arith.constant 112 : index
        %get3A_319 = tpu.vector_load %arg13[%get3A_317, %get3A_318] {strides = array<i32>} : memref<64x128xf32, #tpu.memory_space<vmem>>, vector<1x16xf32>,
        %get3A_320 = vector.shape_cast %get3A_319 : vector<1x16xf32> to vector<16xf32>
        %add3A_321 = arith.addf %get3A_316, %get3A_320 : vector<16xf32>
        %swap3A_322 = arith.index_cast %add3A_216 : i32 to index
        %swap3A_323 = arith.constant 112 : index
        %swap3A_324 = tpu.vector_load %arg17[%swap3A_322, %swap3A_323] {strides = array<i32>} : memref<64x128xf32, #tpu.memory_space<vmem>>, vector<1x16xf32>,
        %swap3A_325 = vector.shape_cast %swap3A_324 : vector<1x16xf32> to vector<16xf32>
        %swap3A_326 = vector.shape_cast %add3A_321 : vector<16xf32> to vector<1x16xf32>
        tpu.vector_store %arg17[%swap3A_322, %swap3A_323], %swap3A_326 {strides = array<i32>} : memref<64x128xf32, #tpu.memory_space<vmem>>, vector<1x16xf32>,
      }
      %scan3A_96 = arith.constant 64 : i32
      %add3A_97 = arith.constant 0 : i32
      %add3A_98 = arith.addi %mul3A_77, %add3A_97 : i32
      %mul3A_99 = arith.constant 64 : i32
      %mul3A_100 = arith.muli %add3A_98, %mul3A_99 : i32
      %add3A_101 = arith.addi %mul3A_4, %mul3A_100 : i32
      %dma_start3A_102 = arith.constant 0 : i32
      %dma_start3A_103 = tpu.memref_slice %arg6[%add3A_101, %dma_start3A_102] : memref<204800x128xf32, #tpu.memory_space<hbm>> -> memref<64x128xf32, #tpu.memory_space<hbm>>
      %dma_start3A_104 = arith.constant 0 : i32
      %dma_start3A_105 = tpu.memref_slice %arg6[%add3A_101, %dma_start3A_104] : memref<204800x128xf32, #tpu.memory_space<hbm>> -> memref<64x128xf32, #tpu.memory_space<hbm>>
      tpu.enqueue_dma source(%arg17 : memref<64x128xf32, #tpu.memory_space<vmem>>) target(%dma_start3A_105 : memref<64x128xf32, #tpu.memory_space<hbm>>) target_semaphore(%arg25 : memref<!tpu.dma_semaphore, #tpu.memory_space<semaphore_mem>>)
      %lt3A = arith.constant 24 : i32
      %lt3A_106 = arith.cmpi slt, %add3A_75, %lt3A : i32
      %convert_element_type3A_107 = arith.extui %lt3A_106 : i1 to i32
      %cond3A_108 = arith.constant 0 : i32
      %cond3A_109 = arith.cmpi ne, %convert_element_type3A_107, %cond3A_108 : i32
      scf.if %cond3A_109 {
        %add3A_212 = arith.constant 4 : i32
        %add3A_213 = arith.addi %mul3A_77, %add3A_212 : i32
        %add3A_214 = arith.constant 0 : i32
        %add3A_215 = arith.addi %add3A_213, %add3A_214 : i32
        %mul3A_216 = arith.constant 64 : i32
        %mul3A_217 = arith.muli %add3A_215, %mul3A_216 : i32
        %dma_start3A_218 = tpu.memref_slice %arg7[%mul3A_217] : memref<6400xi32, #tpu.memory_space<vmem>> -> memref<64xi32, #tpu.memory_space<vmem>>
        %dma_start3A_219 = arith.constant 0 : i32
        %dma_start3A_220 = arith.constant 0 : i32
        %dma_start3A_221 = tpu.memref_slice %arg29[%dma_start3A_219, %dma_start3A_220] : memref<1000x128xf32, #tpu.memory_space<vmem_shared>> -> memref<1000x128xf32, #tpu.memory_space<vmem_shared>>
        tpu.enqueue_indirect_dma source(%dma_start3A_221 : memref<1000x128xf32, #tpu.memory_space<vmem_shared>>) target(%arg9 : memref<64x128xf32, #tpu.memory_space<vmem>>) offsets(%dma_start3A_218 : memref<64xi32, #tpu.memory_space<vmem>>) semaphore(%arg21 : memref<!tpu.dma_semaphore, #tpu.memory_space<semaphore_mem>>)
        %mul3A_222 = arith.constant 64 : i32
        %mul3A_223 = arith.muli %add3A_215, %mul3A_222 : i32
        %dma_start3A_224 = tpu.memref_slice %arg8[%mul3A_223] : memref<6400xi32, #tpu.memory_space<vmem>> -> memref<64xi32, #tpu.memory_space<vmem>>
        %dma_start3A_225 = arith.constant 0 : i32
        %dma_start3A_226 = arith.constant 0 : i32
        %dma_start3A_227 = tpu.memref_slice %arg30[%dma_start3A_225, %dma_start3A_226] : memref<1000x128xf32, #tpu.memory_space<vmem_shared>> -> memref<1000x128xf32, #tpu.memory_space<vmem_shared>>
        tpu.enqueue_indirect_dma source(%dma_start3A_227 : memref<1000x128xf32, #tpu.memory_space<vmem_shared>>) target(%arg13 : memref<64x128xf32, #tpu.memory_space<vmem>>) offsets(%dma_start3A_224 : memref<64xi32, #tpu.memory_space<vmem>>) semaphore(%arg21 : memref<!tpu.dma_semaphore, #tpu.memory_space<semaphore_mem>>)
      } else {
      }
      %dma_wait3A_110 = arith.constant 0 : i32
      %dma_wait3A_111 = tpu.memref_slice %arg7[%dma_wait3A_110] : memref<6400xi32, #tpu.memory_space<vmem>> -> memref<64xi32, #tpu.memory_space<vmem>>
      %dma_wait3A_112 = arith.constant 0 : i32
      %dma_wait3A_113 = arith.constant 0 : i32
      %dma_wait3A_114 = tpu.memref_slice %arg29[%dma_wait3A_112, %dma_wait3A_113] : memref<1000x128xf32, #tpu.memory_space<vmem_shared>> -> memref<1000x128xf32, #tpu.memory_space<vmem_shared>>
      tpu.wait_indirect_dma semaphore(%arg22 : memref<!tpu.dma_semaphore, #tpu.memory_space<semaphore_mem>>) src(%dma_wait3A_114 : memref<1000x128xf32, #tpu.memory_space<vmem_shared>>) dst(%arg10 : memref<64x128xf32, #tpu.memory_space<vmem>>)
      %dma_wait3A_115 = arith.constant 0 : i32
      %dma_wait3A_116 = tpu.memref_slice %arg8[%dma_wait3A_115] : memref<6400xi32, #tpu.memory_space<vmem>> -> memref<64xi32, #tpu.memory_space<vmem>>
      %dma_wait3A_117 = arith.constant 0 : i32
      %dma_wait3A_118 = arith.constant 0 : i32
      %dma_wait3A_119 = tpu.memref_slice %arg30[%dma_wait3A_117, %dma_wait3A_118] : memref<1000x128xf32, #tpu.memory_space<vmem_shared>> -> memref<1000x128xf32, #tpu.memory_space<vmem_shared>>
      tpu.wait_indirect_dma semaphore(%arg22 : memref<!tpu.dma_semaphore, #tpu.memory_space<semaphore_mem>>) src(%dma_wait3A_119 : memref<1000x128xf32, #tpu.memory_space<vmem_shared>>) dst(%arg14 : memref<64x128xf32, #tpu.memory_space<vmem>>)
      %gt3A_120 = arith.constant 0 : i32
      %gt3A_121 = arith.cmpi sgt, %add3A_75, %gt3A_120 : i32
      %convert_element_type3A_122 = arith.extui %gt3A_121 : i1 to i32
      %cond3A_123 = arith.constant 0 : i32
      %cond3A_124 = arith.cmpi ne, %convert_element_type3A_122, %cond3A_123 : i32
      scf.if %cond3A_124 {
        %dma_wait3A_212 = arith.constant 0 : i32
        %dma_wait3A_213 = arith.constant 0 : i32
        %dma_wait3A_214 = tpu.memref_slice %arg6[%dma_wait3A_212, %dma_wait3A_213] : memref<204800x128xf32, #tpu.memory_space<hbm>> -> memref<64x128xf32, #tpu.memory_space<hbm>>
        %dma_wait3A_215 = arith.constant 0 : i32
        %dma_wait3A_216 = arith.constant 0 : i32
        %dma_wait3A_217 = tpu.memref_slice %arg6[%dma_wait3A_215, %dma_wait3A_216] : memref<204800x128xf32, #tpu.memory_space<hbm>> -> memref<64x128xf32, #tpu.memory_space<hbm>>
        tpu.wait_dma2 semaphore(%arg26 : memref<!tpu.dma_semaphore, #tpu.memory_space<semaphore_mem>>) src(%arg18 : memref<64x128xf32, #tpu.memory_space<vmem>>) dst(%dma_wait3A_217 : memref<64x128xf32, #tpu.memory_space<hbm>>)
      } else {
      }
      %scan3A_125 = arith.constant 0 : i32
      %scan3A_126 = arith.constant 64 : i32
      %scan3A_127 = arith.addi %scan3A_125, %scan3A_126 : i32
      %scan3A_128 = arith.constant 1 : i32
      scf.for %scan3A_212 = %scan3A_125 to %scan3A_127 step %scan3A_128  : i32 {
        %mul3A_213 = arith.constant 1 : i32
        %mul3A_214 = arith.muli %scan3A_212, %mul3A_213 : i32
        %add3A_215 = arith.constant 0 : i32
        %add3A_216 = arith.addi %add3A_215, %mul3A_214 : i32
        %get3A = arith.index_cast %add3A_216 : i32 to index
        %get3A_217 = arith.constant 0 : index
        %get3A_218 = tpu.vector_load %arg10[%get3A, %get3A_217] {strides = array<i32>} : memref<64x128xf32, #tpu.memory_space<vmem>>, vector<1x16xf32>,
        %get3A_219 = vector.shape_cast %get3A_218 : vector<1x16xf32> to vector<16xf32>
        %get3A_220 = arith.index_cast %add3A_216 : i32 to index
        %get3A_221 = arith.constant 0 : index
        %get3A_222 = tpu.vector_load %arg14[%get3A_220, %get3A_221] {strides = array<i32>} : memref<64x128xf32, #tpu.memory_space<vmem>>, vector<1x16xf32>,
        %get3A_223 = vector.shape_cast %get3A_222 : vector<1x16xf32> to vector<16xf32>
        %add3A_224 = arith.addf %get3A_219, %get3A_223 : vector<16xf32>
        %swap3A = arith.index_cast %add3A_216 : i32 to index
        %swap3A_225 = arith.constant 0 : index
        %swap3A_226 = tpu.vector_load %arg18[%swap3A, %swap3A_225] {strides = array<i32>} : memref<64x128xf32, #tpu.memory_space<vmem>>, vector<1x16xf32>,
        %swap3A_227 = vector.shape_cast %swap3A_226 : vector<1x16xf32> to vector<16xf32>
        %swap3A_228 = vector.shape_cast %add3A_224 : vector<16xf32> to vector<1x16xf32>
        tpu.vector_store %arg18[%swap3A, %swap3A_225], %swap3A_228 {strides = array<i32>} : memref<64x128xf32, #tpu.memory_space<vmem>>, vector<1x16xf32>,
        %get3A_229 = arith.index_cast %add3A_216 : i32 to index
        %get3A_230 = arith.constant 16 : index
        %get3A_231 = tpu.vector_load %arg10[%get3A_229, %get3A_230] {strides = array<i32>} : memref<64x128xf32, #tpu.memory_space<vmem>>, vector<1x16xf32>,
        %get3A_232 = vector.shape_cast %get3A_231 : vector<1x16xf32> to vector<16xf32>
        %get3A_233 = arith.index_cast %add3A_216 : i32 to index
        %get3A_234 = arith.constant 16 : index
        %get3A_235 = tpu.vector_load %arg14[%get3A_233, %get3A_234] {strides = array<i32>} : memref<64x128xf32, #tpu.memory_space<vmem>>, vector<1x16xf32>,
        %get3A_236 = vector.shape_cast %get3A_235 : vector<1x16xf32> to vector<16xf32>
        %add3A_237 = arith.addf %get3A_232, %get3A_236 : vector<16xf32>
        %swap3A_238 = arith.index_cast %add3A_216 : i32 to index
        %swap3A_239 = arith.constant 16 : index
        %swap3A_240 = tpu.vector_load %arg18[%swap3A_238, %swap3A_239] {strides = array<i32>} : memref<64x128xf32, #tpu.memory_space<vmem>>, vector<1x16xf32>,
        %swap3A_241 = vector.shape_cast %swap3A_240 : vector<1x16xf32> to vector<16xf32>
        %swap3A_242 = vector.shape_cast %add3A_237 : vector<16xf32> to vector<1x16xf32>
        tpu.vector_store %arg18[%swap3A_238, %swap3A_239], %swap3A_242 {strides = array<i32>} : memref<64x128xf32, #tpu.memory_space<vmem>>, vector<1x16xf32>,
        %get3A_243 = arith.index_cast %add3A_216 : i32 to index
        %get3A_244 = arith.constant 32 : index
        %get3A_245 = tpu.vector_load %arg10[%get3A_243, %get3A_244] {strides = array<i32>} : memref<64x128xf32, #tpu.memory_space<vmem>>, vector<1x16xf32>,
        %get3A_246 = vector.shape_cast %get3A_245 : vector<1x16xf32> to vector<16xf32>
        %get3A_247 = arith.index_cast %add3A_216 : i32 to index
        %get3A_248 = arith.constant 32 : index
        %get3A_249 = tpu.vector_load %arg14[%get3A_247, %get3A_248] {strides = array<i32>} : memref<64x128xf32, #tpu.memory_space<vmem>>, vector<1x16xf32>,
        %get3A_250 = vector.shape_cast %get3A_249 : vector<1x16xf32> to vector<16xf32>
        %add3A_251 = arith.addf %get3A_246, %get3A_250 : vector<16xf32>
        %swap3A_252 = arith.index_cast %add3A_216 : i32 to index
        %swap3A_253 = arith.constant 32 : index
        %swap3A_254 = tpu.vector_load %arg18[%swap3A_252, %swap3A_253] {strides = array<i32>} : memref<64x128xf32, #tpu.memory_space<vmem>>, vector<1x16xf32>,
        %swap3A_255 = vector.shape_cast %swap3A_254 : vector<1x16xf32> to vector<16xf32>
        %swap3A_256 = vector.shape_cast %add3A_251 : vector<16xf32> to vector<1x16xf32>
        tpu.vector_store %arg18[%swap3A_252, %swap3A_253], %swap3A_256 {strides = array<i32>} : memref<64x128xf32, #tpu.memory_space<vmem>>, vector<1x16xf32>,
        %get3A_257 = arith.index_cast %add3A_216 : i32 to index
        %get3A_258 = arith.constant 48 : index
        %get3A_259 = tpu.vector_load %arg10[%get3A_257, %get3A_258] {strides = array<i32>} : memref<64x128xf32, #tpu.memory_space<vmem>>, vector<1x16xf32>,
        %get3A_260 = vector.shape_cast %get3A_259 : vector<1x16xf32> to vector<16xf32>
        %get3A_261 = arith.index_cast %add3A_216 : i32 to index
        %get3A_262 = arith.constant 48 : index
        %get3A_263 = tpu.vector_load %arg14[%get3A_261, %get3A_262] {strides = array<i32>} : memref<64x128xf32, #tpu.memory_space<vmem>>, vector<1x16xf32>,
        %get3A_264 = vector.shape_cast %get3A_263 : vector<1x16xf32> to vector<16xf32>
        %add3A_265 = arith.addf %get3A_260, %get3A_264 : vector<16xf32>
        %swap3A_266 = arith.index_cast %add3A_216 : i32 to index
        %swap3A_267 = arith.constant 48 : index
        %swap3A_268 = tpu.vector_load %arg18[%swap3A_266, %swap3A_267] {strides = array<i32>} : memref<64x128xf32, #tpu.memory_space<vmem>>, vector<1x16xf32>,
        %swap3A_269 = vector.shape_cast %swap3A_268 : vector<1x16xf32> to vector<16xf32>
        %swap3A_270 = vector.shape_cast %add3A_265 : vector<16xf32> to vector<1x16xf32>
        tpu.vector_store %arg18[%swap3A_266, %swap3A_267], %swap3A_270 {strides = array<i32>} : memref<64x128xf32, #tpu.memory_space<vmem>>, vector<1x16xf32>,
        %get3A_271 = arith.index_cast %add3A_216 : i32 to index
        %get3A_272 = arith.constant 64 : index
        %get3A_273 = tpu.vector_load %arg10[%get3A_271, %get3A_272] {strides = array<i32>} : memref<64x128xf32, #tpu.memory_space<vmem>>, vector<1x16xf32>,
        %get3A_274 = vector.shape_cast %get3A_273 : vector<1x16xf32> to vector<16xf32>
        %get3A_275 = arith.index_cast %add3A_216 : i32 to index
        %get3A_276 = arith.constant 64 : index
        %get3A_277 = tpu.vector_load %arg14[%get3A_275, %get3A_276] {strides = array<i32>} : memref<64x128xf32, #tpu.memory_space<vmem>>, vector<1x16xf32>,
        %get3A_278 = vector.shape_cast %get3A_277 : vector<1x16xf32> to vector<16xf32>
        %add3A_279 = arith.addf %get3A_274, %get3A_278 : vector<16xf32>
        %swap3A_280 = arith.index_cast %add3A_216 : i32 to index
        %swap3A_281 = arith.constant 64 : index
        %swap3A_282 = tpu.vector_load %arg18[%swap3A_280, %swap3A_281] {strides = array<i32>} : memref<64x128xf32, #tpu.memory_space<vmem>>, vector<1x16xf32>,
        %swap3A_283 = vector.shape_cast %swap3A_282 : vector<1x16xf32> to vector<16xf32>
        %swap3A_284 = vector.shape_cast %add3A_279 : vector<16xf32> to vector<1x16xf32>
        tpu.vector_store %arg18[%swap3A_280, %swap3A_281], %swap3A_284 {strides = array<i32>} : memref<64x128xf32, #tpu.memory_space<vmem>>, vector<1x16xf32>,
        %get3A_285 = arith.index_cast %add3A_216 : i32 to index
        %get3A_286 = arith.constant 80 : index
        %get3A_287 = tpu.vector_load %arg10[%get3A_285, %get3A_286] {strides = array<i32>} : memref<64x128xf32, #tpu.memory_space<vmem>>, vector<1x16xf32>,
        %get3A_288 = vector.shape_cast %get3A_287 : vector<1x16xf32> to vector<16xf32>
        %get3A_289 = arith.index_cast %add3A_216 : i32 to index
        %get3A_290 = arith.constant 80 : index
        %get3A_291 = tpu.vector_load %arg14[%get3A_289, %get3A_290] {strides = array<i32>} : memref<64x128xf32, #tpu.memory_space<vmem>>, vector<1x16xf32>,
        %get3A_292 = vector.shape_cast %get3A_291 : vector<1x16xf32> to vector<16xf32>
        %add3A_293 = arith.addf %get3A_288, %get3A_292 : vector<16xf32>
        %swap3A_294 = arith.index_cast %add3A_216 : i32 to index
        %swap3A_295 = arith.constant 80 : index
        %swap3A_296 = tpu.vector_load %arg18[%swap3A_294, %swap3A_295] {strides = array<i32>} : memref<64x128xf32, #tpu.memory_space<vmem>>, vector<1x16xf32>,
        %swap3A_297 = vector.shape_cast %swap3A_296 : vector<1x16xf32> to vector<16xf32>
        %swap3A_298 = vector.shape_cast %add3A_293 : vector<16xf32> to vector<1x16xf32>
        tpu.vector_store %arg18[%swap3A_294, %swap3A_295], %swap3A_298 {strides = array<i32>} : memref<64x128xf32, #tpu.memory_space<vmem>>, vector<1x16xf32>,
        %get3A_299 = arith.index_cast %add3A_216 : i32 to index
        %get3A_300 = arith.constant 96 : index
        %get3A_301 = tpu.vector_load %arg10[%get3A_299, %get3A_300] {strides = array<i32>} : memref<64x128xf32, #tpu.memory_space<vmem>>, vector<1x16xf32>,
        %get3A_302 = vector.shape_cast %get3A_301 : vector<1x16xf32> to vector<16xf32>
        %get3A_303 = arith.index_cast %add3A_216 : i32 to index
        %get3A_304 = arith.constant 96 : index
        %get3A_305 = tpu.vector_load %arg14[%get3A_303, %get3A_304] {strides = array<i32>} : memref<64x128xf32, #tpu.memory_space<vmem>>, vector<1x16xf32>,
        %get3A_306 = vector.shape_cast %get3A_305 : vector<1x16xf32> to vector<16xf32>
        %add3A_307 = arith.addf %get3A_302, %get3A_306 : vector<16xf32>
        %swap3A_308 = arith.index_cast %add3A_216 : i32 to index
        %swap3A_309 = arith.constant 96 : index
        %swap3A_310 = tpu.vector_load %arg18[%swap3A_308, %swap3A_309] {strides = array<i32>} : memref<64x128xf32, #tpu.memory_space<vmem>>, vector<1x16xf32>,
        %swap3A_311 = vector.shape_cast %swap3A_310 : vector<1x16xf32> to vector<16xf32>
        %swap3A_312 = vector.shape_cast %add3A_307 : vector<16xf32> to vector<1x16xf32>
        tpu.vector_store %arg18[%swap3A_308, %swap3A_309], %swap3A_312 {strides = array<i32>} : memref<64x128xf32, #tpu.memory_space<vmem>>, vector<1x16xf32>,
        %get3A_313 = arith.index_cast %add3A_216 : i32 to index
        %get3A_314 = arith.constant 112 : index
        %get3A_315 = tpu.vector_load %arg10[%get3A_313, %get3A_314] {strides = array<i32>} : memref<64x128xf32, #tpu.memory_space<vmem>>, vector<1x16xf32>,
        %get3A_316 = vector.shape_cast %get3A_315 : vector<1x16xf32> to vector<16xf32>
        %get3A_317 = arith.index_cast %add3A_216 : i32 to index
        %get3A_318 = arith.constant 112 : index
        %get3A_319 = tpu.vector_load %arg14[%get3A_317, %get3A_318] {strides = array<i32>} : memref<64x128xf32, #tpu.memory_space<vmem>>, vector<1x16xf32>,
        %get3A_320 = vector.shape_cast %get3A_319 : vector<1x16xf32> to vector<16xf32>
        %add3A_321 = arith.addf %get3A_316, %get3A_320 : vector<16xf32>
        %swap3A_322 = arith.index_cast %add3A_216 : i32 to index
        %swap3A_323 = arith.constant 112 : index
        %swap3A_324 = tpu.vector_load %arg18[%swap3A_322, %swap3A_323] {strides = array<i32>} : memref<64x128xf32, #tpu.memory_space<vmem>>, vector<1x16xf32>,
        %swap3A_325 = vector.shape_cast %swap3A_324 : vector<1x16xf32> to vector<16xf32>
        %swap3A_326 = vector.shape_cast %add3A_321 : vector<16xf32> to vector<1x16xf32>
        tpu.vector_store %arg18[%swap3A_322, %swap3A_323], %swap3A_326 {strides = array<i32>} : memref<64x128xf32, #tpu.memory_space<vmem>>, vector<1x16xf32>,
      }
      %scan3A_129 = arith.constant 64 : i32
      %add3A_130 = arith.constant 1 : i32
      %add3A_131 = arith.addi %mul3A_77, %add3A_130 : i32
      %mul3A_132 = arith.constant 64 : i32
      %mul3A_133 = arith.muli %add3A_131, %mul3A_132 : i32
      %add3A_134 = arith.addi %mul3A_4, %mul3A_133 : i32
      %dma_start3A_135 = arith.constant 0 : i32
      %dma_start3A_136 = tpu.memref_slice %arg6[%add3A_134, %dma_start3A_135] : memref<204800x128xf32, #tpu.memory_space<hbm>> -> memref<64x128xf32, #tpu.memory_space<hbm>>
      %dma_start3A_137 = arith.constant 0 : i32
      %dma_start3A_138 = tpu.memref_slice %arg6[%add3A_134, %dma_start3A_137] : memref<204800x128xf32, #tpu.memory_space<hbm>> -> memref<64x128xf32, #tpu.memory_space<hbm>>
      tpu.enqueue_dma source(%arg18 : memref<64x128xf32, #tpu.memory_space<vmem>>) target(%dma_start3A_138 : memref<64x128xf32, #tpu.memory_space<hbm>>) target_semaphore(%arg26 : memref<!tpu.dma_semaphore, #tpu.memory_space<semaphore_mem>>)
      %lt3A_139 = arith.constant 24 : i32
      %lt3A_140 = arith.cmpi slt, %add3A_75, %lt3A_139 : i32
      %convert_element_type3A_141 = arith.extui %lt3A_140 : i1 to i32
      %cond3A_142 = arith.constant 0 : i32
      %cond3A_143 = arith.cmpi ne, %convert_element_type3A_141, %cond3A_142 : i32
      scf.if %cond3A_143 {
        %add3A_212 = arith.constant 4 : i32
        %add3A_213 = arith.addi %mul3A_77, %add3A_212 : i32
        %add3A_214 = arith.constant 1 : i32
        %add3A_215 = arith.addi %add3A_213, %add3A_214 : i32
        %mul3A_216 = arith.constant 64 : i32
        %mul3A_217 = arith.muli %add3A_215, %mul3A_216 : i32
        %dma_start3A_218 = tpu.memref_slice %arg7[%mul3A_217] : memref<6400xi32, #tpu.memory_space<vmem>> -> memref<64xi32, #tpu.memory_space<vmem>>
        %dma_start3A_219 = arith.constant 0 : i32
        %dma_start3A_220 = arith.constant 0 : i32
        %dma_start3A_221 = tpu.memref_slice %arg29[%dma_start3A_219, %dma_start3A_220] : memref<1000x128xf32, #tpu.memory_space<vmem_shared>> -> memref<1000x128xf32, #tpu.memory_space<vmem_shared>>
        tpu.enqueue_indirect_dma source(%dma_start3A_221 : memref<1000x128xf32, #tpu.memory_space<vmem_shared>>) target(%arg10 : memref<64x128xf32, #tpu.memory_space<vmem>>) offsets(%dma_start3A_218 : memref<64xi32, #tpu.memory_space<vmem>>) semaphore(%arg22 : memref<!tpu.dma_semaphore, #tpu.memory_space<semaphore_mem>>)
        %mul3A_222 = arith.constant 64 : i32
        %mul3A_223 = arith.muli %add3A_215, %mul3A_222 : i32
        %dma_start3A_224 = tpu.memref_slice %arg8[%mul3A_223] : memref<6400xi32, #tpu.memory_space<vmem>> -> memref<64xi32, #tpu.memory_space<vmem>>
        %dma_start3A_225 = arith.constant 0 : i32
        %dma_start3A_226 = arith.constant 0 : i32
        %dma_start3A_227 = tpu.memref_slice %arg30[%dma_start3A_225, %dma_start3A_226] : memref<1000x128xf32, #tpu.memory_space<vmem_shared>> -> memref<1000x128xf32, #tpu.memory_space<vmem_shared>>
        tpu.enqueue_indirect_dma source(%dma_start3A_227 : memref<1000x128xf32, #tpu.memory_space<vmem_shared>>) target(%arg14 : memref<64x128xf32, #tpu.memory_space<vmem>>) offsets(%dma_start3A_224 : memref<64xi32, #tpu.memory_space<vmem>>) semaphore(%arg22 : memref<!tpu.dma_semaphore, #tpu.memory_space<semaphore_mem>>)
      } else {
      }
      %dma_wait3A_144 = arith.constant 0 : i32
      %dma_wait3A_145 = tpu.memref_slice %arg7[%dma_wait3A_144] : memref<6400xi32, #tpu.memory_space<vmem>> -> memref<64xi32, #tpu.memory_space<vmem>>
      %dma_wait3A_146 = arith.constant 0 : i32
      %dma_wait3A_147 = arith.constant 0 : i32
      %dma_wait3A_148 = tpu.memref_slice %arg29[%dma_wait3A_146, %dma_wait3A_147] : memref<1000x128xf32, #tpu.memory_space<vmem_shared>> -> memref<1000x128xf32, #tpu.memory_space<vmem_shared>>
      tpu.wait_indirect_dma semaphore(%arg23 : memref<!tpu.dma_semaphore, #tpu.memory_space<semaphore_mem>>) src(%dma_wait3A_148 : memref<1000x128xf32, #tpu.memory_space<vmem_shared>>) dst(%arg11 : memref<64x128xf32, #tpu.memory_space<vmem>>)
      %dma_wait3A_149 = arith.constant 0 : i32
      %dma_wait3A_150 = tpu.memref_slice %arg8[%dma_wait3A_149] : memref<6400xi32, #tpu.memory_space<vmem>> -> memref<64xi32, #tpu.memory_space<vmem>>
      %dma_wait3A_151 = arith.constant 0 : i32
      %dma_wait3A_152 = arith.constant 0 : i32
      %dma_wait3A_153 = tpu.memref_slice %arg30[%dma_wait3A_151, %dma_wait3A_152] : memref<1000x128xf32, #tpu.memory_space<vmem_shared>> -> memref<1000x128xf32, #tpu.memory_space<vmem_shared>>
      tpu.wait_indirect_dma semaphore(%arg23 : memref<!tpu.dma_semaphore, #tpu.memory_space<semaphore_mem>>) src(%dma_wait3A_153 : memref<1000x128xf32, #tpu.memory_space<vmem_shared>>) dst(%arg15 : memref<64x128xf32, #tpu.memory_space<vmem>>)
      %gt3A_154 = arith.constant 0 : i32
      %gt3A_155 = arith.cmpi sgt, %add3A_75, %gt3A_154 : i32
      %convert_element_type3A_156 = arith.extui %gt3A_155 : i1 to i32
      %cond3A_157 = arith.constant 0 : i32
      %cond3A_158 = arith.cmpi ne, %convert_element_type3A_156, %cond3A_157 : i32
      scf.if %cond3A_158 {
        %dma_wait3A_212 = arith.constant 0 : i32
        %dma_wait3A_213 = arith.constant 0 : i32
        %dma_wait3A_214 = tpu.memref_slice %arg6[%dma_wait3A_212, %dma_wait3A_213] : memref<204800x128xf32, #tpu.memory_space<hbm>> -> memref<64x128xf32, #tpu.memory_space<hbm>>
        %dma_wait3A_215 = arith.constant 0 : i32
        %dma_wait3A_216 = arith.constant 0 : i32
        %dma_wait3A_217 = tpu.memref_slice %arg6[%dma_wait3A_215, %dma_wait3A_216] : memref<204800x128xf32, #tpu.memory_space<hbm>> -> memref<64x128xf32, #tpu.memory_space<hbm>>
        tpu.wait_dma2 semaphore(%arg27 : memref<!tpu.dma_semaphore, #tpu.memory_space<semaphore_mem>>) src(%arg19 : memref<64x128xf32, #tpu.memory_space<vmem>>) dst(%dma_wait3A_217 : memref<64x128xf32, #tpu.memory_space<hbm>>)
      } else {
      }
      %scan3A_159 = arith.constant 0 : i32
      %scan3A_160 = arith.constant 64 : i32
      %scan3A_161 = arith.addi %scan3A_159, %scan3A_160 : i32
      %scan3A_162 = arith.constant 1 : i32
      scf.for %scan3A_212 = %scan3A_159 to %scan3A_161 step %scan3A_162  : i32 {
        %mul3A_213 = arith.constant 1 : i32
        %mul3A_214 = arith.muli %scan3A_212, %mul3A_213 : i32
        %add3A_215 = arith.constant 0 : i32
        %add3A_216 = arith.addi %add3A_215, %mul3A_214 : i32
        %get3A = arith.index_cast %add3A_216 : i32 to index
        %get3A_217 = arith.constant 0 : index
        %get3A_218 = tpu.vector_load %arg11[%get3A, %get3A_217] {strides = array<i32>} : memref<64x128xf32, #tpu.memory_space<vmem>>, vector<1x16xf32>,
        %get3A_219 = vector.shape_cast %get3A_218 : vector<1x16xf32> to vector<16xf32>
        %get3A_220 = arith.index_cast %add3A_216 : i32 to index
        %get3A_221 = arith.constant 0 : index
        %get3A_222 = tpu.vector_load %arg15[%get3A_220, %get3A_221] {strides = array<i32>} : memref<64x128xf32, #tpu.memory_space<vmem>>, vector<1x16xf32>,
        %get3A_223 = vector.shape_cast %get3A_222 : vector<1x16xf32> to vector<16xf32>
        %add3A_224 = arith.addf %get3A_219, %get3A_223 : vector<16xf32>
        %swap3A = arith.index_cast %add3A_216 : i32 to index
        %swap3A_225 = arith.constant 0 : index
        %swap3A_226 = tpu.vector_load %arg19[%swap3A, %swap3A_225] {strides = array<i32>} : memref<64x128xf32, #tpu.memory_space<vmem>>, vector<1x16xf32>,
        %swap3A_227 = vector.shape_cast %swap3A_226 : vector<1x16xf32> to vector<16xf32>
        %swap3A_228 = vector.shape_cast %add3A_224 : vector<16xf32> to vector<1x16xf32>
        tpu.vector_store %arg19[%swap3A, %swap3A_225], %swap3A_228 {strides = array<i32>} : memref<64x128xf32, #tpu.memory_space<vmem>>, vector<1x16xf32>,
        %get3A_229 = arith.index_cast %add3A_216 : i32 to index
        %get3A_230 = arith.constant 16 : index
        %get3A_231 = tpu.vector_load %arg11[%get3A_229, %get3A_230] {strides = array<i32>} : memref<64x128xf32, #tpu.memory_space<vmem>>, vector<1x16xf32>,
        %get3A_232 = vector.shape_cast %get3A_231 : vector<1x16xf32> to vector<16xf32>
        %get3A_233 = arith.index_cast %add3A_216 : i32 to index
        %get3A_234 = arith.constant 16 : index
        %get3A_235 = tpu.vector_load %arg15[%get3A_233, %get3A_234] {strides = array<i32>} : memref<64x128xf32, #tpu.memory_space<vmem>>, vector<1x16xf32>,
        %get3A_236 = vector.shape_cast %get3A_235 : vector<1x16xf32> to vector<16xf32>
        %add3A_237 = arith.addf %get3A_232, %get3A_236 : vector<16xf32>
        %swap3A_238 = arith.index_cast %add3A_216 : i32 to index
        %swap3A_239 = arith.constant 16 : index
        %swap3A_240 = tpu.vector_load %arg19[%swap3A_238, %swap3A_239] {strides = array<i32>} : memref<64x128xf32, #tpu.memory_space<vmem>>, vector<1x16xf32>,
        %swap3A_241 = vector.shape_cast %swap3A_240 : vector<1x16xf32> to vector<16xf32>
        %swap3A_242 = vector.shape_cast %add3A_237 : vector<16xf32> to vector<1x16xf32>
        tpu.vector_store %arg19[%swap3A_238, %swap3A_239], %swap3A_242 {strides = array<i32>} : memref<64x128xf32, #tpu.memory_space<vmem>>, vector<1x16xf32>,
        %get3A_243 = arith.index_cast %add3A_216 : i32 to index
        %get3A_244 = arith.constant 32 : index
        %get3A_245 = tpu.vector_load %arg11[%get3A_243, %get3A_244] {strides = array<i32>} : memref<64x128xf32, #tpu.memory_space<vmem>>, vector<1x16xf32>,
        %get3A_246 = vector.shape_cast %get3A_245 : vector<1x16xf32> to vector<16xf32>
        %get3A_247 = arith.index_cast %add3A_216 : i32 to index
        %get3A_248 = arith.constant 32 : index
        %get3A_249 = tpu.vector_load %arg15[%get3A_247, %get3A_248] {strides = array<i32>} : memref<64x128xf32, #tpu.memory_space<vmem>>, vector<1x16xf32>,
        %get3A_250 = vector.shape_cast %get3A_249 : vector<1x16xf32> to vector<16xf32>
        %add3A_251 = arith.addf %get3A_246, %get3A_250 : vector<16xf32>
        %swap3A_252 = arith.index_cast %add3A_216 : i32 to index
        %swap3A_253 = arith.constant 32 : index
        %swap3A_254 = tpu.vector_load %arg19[%swap3A_252, %swap3A_253] {strides = array<i32>} : memref<64x128xf32, #tpu.memory_space<vmem>>, vector<1x16xf32>,
        %swap3A_255 = vector.shape_cast %swap3A_254 : vector<1x16xf32> to vector<16xf32>
        %swap3A_256 = vector.shape_cast %add3A_251 : vector<16xf32> to vector<1x16xf32>
        tpu.vector_store %arg19[%swap3A_252, %swap3A_253], %swap3A_256 {strides = array<i32>} : memref<64x128xf32, #tpu.memory_space<vmem>>, vector<1x16xf32>,
        %get3A_257 = arith.index_cast %add3A_216 : i32 to index
        %get3A_258 = arith.constant 48 : index
        %get3A_259 = tpu.vector_load %arg11[%get3A_257, %get3A_258] {strides = array<i32>} : memref<64x128xf32, #tpu.memory_space<vmem>>, vector<1x16xf32>,
        %get3A_260 = vector.shape_cast %get3A_259 : vector<1x16xf32> to vector<16xf32>
        %get3A_261 = arith.index_cast %add3A_216 : i32 to index
        %get3A_262 = arith.constant 48 : index
        %get3A_263 = tpu.vector_load %arg15[%get3A_261, %get3A_262] {strides = array<i32>} : memref<64x128xf32, #tpu.memory_space<vmem>>, vector<1x16xf32>,
        %get3A_264 = vector.shape_cast %get3A_263 : vector<1x16xf32> to vector<16xf32>
        %add3A_265 = arith.addf %get3A_260, %get3A_264 : vector<16xf32>
        %swap3A_266 = arith.index_cast %add3A_216 : i32 to index
        %swap3A_267 = arith.constant 48 : index
        %swap3A_268 = tpu.vector_load %arg19[%swap3A_266, %swap3A_267] {strides = array<i32>} : memref<64x128xf32, #tpu.memory_space<vmem>>, vector<1x16xf32>,
        %swap3A_269 = vector.shape_cast %swap3A_268 : vector<1x16xf32> to vector<16xf32>
        %swap3A_270 = vector.shape_cast %add3A_265 : vector<16xf32> to vector<1x16xf32>
        tpu.vector_store %arg19[%swap3A_266, %swap3A_267], %swap3A_270 {strides = array<i32>} : memref<64x128xf32, #tpu.memory_space<vmem>>, vector<1x16xf32>,
        %get3A_271 = arith.index_cast %add3A_216 : i32 to index
        %get3A_272 = arith.constant 64 : index
        %get3A_273 = tpu.vector_load %arg11[%get3A_271, %get3A_272] {strides = array<i32>} : memref<64x128xf32, #tpu.memory_space<vmem>>, vector<1x16xf32>,
        %get3A_274 = vector.shape_cast %get3A_273 : vector<1x16xf32> to vector<16xf32>
        %get3A_275 = arith.index_cast %add3A_216 : i32 to index
        %get3A_276 = arith.constant 64 : index
        %get3A_277 = tpu.vector_load %arg15[%get3A_275, %get3A_276] {strides = array<i32>} : memref<64x128xf32, #tpu.memory_space<vmem>>, vector<1x16xf32>,
        %get3A_278 = vector.shape_cast %get3A_277 : vector<1x16xf32> to vector<16xf32>
        %add3A_279 = arith.addf %get3A_274, %get3A_278 : vector<16xf32>
        %swap3A_280 = arith.index_cast %add3A_216 : i32 to index
        %swap3A_281 = arith.constant 64 : index
        %swap3A_282 = tpu.vector_load %arg19[%swap3A_280, %swap3A_281] {strides = array<i32>} : memref<64x128xf32, #tpu.memory_space<vmem>>, vector<1x16xf32>,
        %swap3A_283 = vector.shape_cast %swap3A_282 : vector<1x16xf32> to vector<16xf32>
        %swap3A_284 = vector.shape_cast %add3A_279 : vector<16xf32> to vector<1x16xf32>
        tpu.vector_store %arg19[%swap3A_280, %swap3A_281], %swap3A_284 {strides = array<i32>} : memref<64x128xf32, #tpu.memory_space<vmem>>, vector<1x16xf32>,
        %get3A_285 = arith.index_cast %add3A_216 : i32 to index
        %get3A_286 = arith.constant 80 : index
        %get3A_287 = tpu.vector_load %arg11[%get3A_285, %get3A_286] {strides = array<i32>} : memref<64x128xf32, #tpu.memory_space<vmem>>, vector<1x16xf32>,
        %get3A_288 = vector.shape_cast %get3A_287 : vector<1x16xf32> to vector<16xf32>
        %get3A_289 = arith.index_cast %add3A_216 : i32 to index
        %get3A_290 = arith.constant 80 : index
        %get3A_291 = tpu.vector_load %arg15[%get3A_289, %get3A_290] {strides = array<i32>} : memref<64x128xf32, #tpu.memory_space<vmem>>, vector<1x16xf32>,
        %get3A_292 = vector.shape_cast %get3A_291 : vector<1x16xf32> to vector<16xf32>
        %add3A_293 = arith.addf %get3A_288, %get3A_292 : vector<16xf32>
        %swap3A_294 = arith.index_cast %add3A_216 : i32 to index
        %swap3A_295 = arith.constant 80 : index
        %swap3A_296 = tpu.vector_load %arg19[%swap3A_294, %swap3A_295] {strides = array<i32>} : memref<64x128xf32, #tpu.memory_space<vmem>>, vector<1x16xf32>,
        %swap3A_297 = vector.shape_cast %swap3A_296 : vector<1x16xf32> to vector<16xf32>
        %swap3A_298 = vector.shape_cast %add3A_293 : vector<16xf32> to vector<1x16xf32>
        tpu.vector_store %arg19[%swap3A_294, %swap3A_295], %swap3A_298 {strides = array<i32>} : memref<64x128xf32, #tpu.memory_space<vmem>>, vector<1x16xf32>,
        %get3A_299 = arith.index_cast %add3A_216 : i32 to index
        %get3A_300 = arith.constant 96 : index
        %get3A_301 = tpu.vector_load %arg11[%get3A_299, %get3A_300] {strides = array<i32>} : memref<64x128xf32, #tpu.memory_space<vmem>>, vector<1x16xf32>,
        %get3A_302 = vector.shape_cast %get3A_301 : vector<1x16xf32> to vector<16xf32>
        %get3A_303 = arith.index_cast %add3A_216 : i32 to index
        %get3A_304 = arith.constant 96 : index
        %get3A_305 = tpu.vector_load %arg15[%get3A_303, %get3A_304] {strides = array<i32>} : memref<64x128xf32, #tpu.memory_space<vmem>>, vector<1x16xf32>,
        %get3A_306 = vector.shape_cast %get3A_305 : vector<1x16xf32> to vector<16xf32>
        %add3A_307 = arith.addf %get3A_302, %get3A_306 : vector<16xf32>
        %swap3A_308 = arith.index_cast %add3A_216 : i32 to index
        %swap3A_309 = arith.constant 96 : index
        %swap3A_310 = tpu.vector_load %arg19[%swap3A_308, %swap3A_309] {strides = array<i32>} : memref<64x128xf32, #tpu.memory_space<vmem>>, vector<1x16xf32>,
        %swap3A_311 = vector.shape_cast %swap3A_310 : vector<1x16xf32> to vector<16xf32>
        %swap3A_312 = vector.shape_cast %add3A_307 : vector<16xf32> to vector<1x16xf32>
        tpu.vector_store %arg19[%swap3A_308, %swap3A_309], %swap3A_312 {strides = array<i32>} : memref<64x128xf32, #tpu.memory_space<vmem>>, vector<1x16xf32>,
        %get3A_313 = arith.index_cast %add3A_216 : i32 to index
        %get3A_314 = arith.constant 112 : index
        %get3A_315 = tpu.vector_load %arg11[%get3A_313, %get3A_314] {strides = array<i32>} : memref<64x128xf32, #tpu.memory_space<vmem>>, vector<1x16xf32>,
        %get3A_316 = vector.shape_cast %get3A_315 : vector<1x16xf32> to vector<16xf32>
        %get3A_317 = arith.index_cast %add3A_216 : i32 to index
        %get3A_318 = arith.constant 112 : index
        %get3A_319 = tpu.vector_load %arg15[%get3A_317, %get3A_318] {strides = array<i32>} : memref<64x128xf32, #tpu.memory_space<vmem>>, vector<1x16xf32>,
        %get3A_320 = vector.shape_cast %get3A_319 : vector<1x16xf32> to vector<16xf32>
        %add3A_321 = arith.addf %get3A_316, %get3A_320 : vector<16xf32>
        %swap3A_322 = arith.index_cast %add3A_216 : i32 to index
        %swap3A_323 = arith.constant 112 : index
        %swap3A_324 = tpu.vector_load %arg19[%swap3A_322, %swap3A_323] {strides = array<i32>} : memref<64x128xf32, #tpu.memory_space<vmem>>, vector<1x16xf32>,
        %swap3A_325 = vector.shape_cast %swap3A_324 : vector<1x16xf32> to vector<16xf32>
        %swap3A_326 = vector.shape_cast %add3A_321 : vector<16xf32> to vector<1x16xf32>
        tpu.vector_store %arg19[%swap3A_322, %swap3A_323], %swap3A_326 {strides = array<i32>} : memref<64x128xf32, #tpu.memory_space<vmem>>, vector<1x16xf32>,
      }
      %scan3A_163 = arith.constant 64 : i32
      %add3A_164 = arith.constant 2 : i32
      %add3A_165 = arith.addi %mul3A_77, %add3A_164 : i32
      %mul3A_166 = arith.constant 64 : i32
      %mul3A_167 = arith.muli %add3A_165, %mul3A_166 : i32
      %add3A_168 = arith.addi %mul3A_4, %mul3A_167 : i32
      %dma_start3A_169 = arith.constant 0 : i32
      %dma_start3A_170 = tpu.memref_slice %arg6[%add3A_168, %dma_start3A_169] : memref<204800x128xf32, #tpu.memory_space<hbm>> -> memref<64x128xf32, #tpu.memory_space<hbm>>
      %dma_start3A_171 = arith.constant 0 : i32
      %dma_start3A_172 = tpu.memref_slice %arg6[%add3A_168, %dma_start3A_171] : memref<204800x128xf32, #tpu.memory_space<hbm>> -> memref<64x128xf32, #tpu.memory_space<hbm>>
      tpu.enqueue_dma source(%arg19 : memref<64x128xf32, #tpu.memory_space<vmem>>) target(%dma_start3A_172 : memref<64x128xf32, #tpu.memory_space<hbm>>) target_semaphore(%arg27 : memref<!tpu.dma_semaphore, #tpu.memory_space<semaphore_mem>>)
      %lt3A_173 = arith.constant 24 : i32
      %lt3A_174 = arith.cmpi slt, %add3A_75, %lt3A_173 : i32
      %convert_element_type3A_175 = arith.extui %lt3A_174 : i1 to i32
      %cond3A_176 = arith.constant 0 : i32
      %cond3A_177 = arith.cmpi ne, %convert_element_type3A_175, %cond3A_176 : i32
      scf.if %cond3A_177 {
        %add3A_212 = arith.constant 4 : i32
        %add3A_213 = arith.addi %mul3A_77, %add3A_212 : i32
        %add3A_214 = arith.constant 2 : i32
        %add3A_215 = arith.addi %add3A_213, %add3A_214 : i32
        %mul3A_216 = arith.constant 64 : i32
        %mul3A_217 = arith.muli %add3A_215, %mul3A_216 : i32
        %dma_start3A_218 = tpu.memref_slice %arg7[%mul3A_217] : memref<6400xi32, #tpu.memory_space<vmem>> -> memref<64xi32, #tpu.memory_space<vmem>>
        %dma_start3A_219 = arith.constant 0 : i32
        %dma_start3A_220 = arith.constant 0 : i32
        %dma_start3A_221 = tpu.memref_slice %arg29[%dma_start3A_219, %dma_start3A_220] : memref<1000x128xf32, #tpu.memory_space<vmem_shared>> -> memref<1000x128xf32, #tpu.memory_space<vmem_shared>>
        tpu.enqueue_indirect_dma source(%dma_start3A_221 : memref<1000x128xf32, #tpu.memory_space<vmem_shared>>) target(%arg11 : memref<64x128xf32, #tpu.memory_space<vmem>>) offsets(%dma_start3A_218 : memref<64xi32, #tpu.memory_space<vmem>>) semaphore(%arg23 : memref<!tpu.dma_semaphore, #tpu.memory_space<semaphore_mem>>)
        %mul3A_222 = arith.constant 64 : i32
        %mul3A_223 = arith.muli %add3A_215, %mul3A_222 : i32
        %dma_start3A_224 = tpu.memref_slice %arg8[%mul3A_223] : memref<6400xi32, #tpu.memory_space<vmem>> -> memref<64xi32, #tpu.memory_space<vmem>>
        %dma_start3A_225 = arith.constant 0 : i32
        %dma_start3A_226 = arith.constant 0 : i32
        %dma_start3A_227 = tpu.memref_slice %arg30[%dma_start3A_225, %dma_start3A_226] : memref<1000x128xf32, #tpu.memory_space<vmem_shared>> -> memref<1000x128xf32, #tpu.memory_space<vmem_shared>>
        tpu.enqueue_indirect_dma source(%dma_start3A_227 : memref<1000x128xf32, #tpu.memory_space<vmem_shared>>) target(%arg15 : memref<64x128xf32, #tpu.memory_space<vmem>>) offsets(%dma_start3A_224 : memref<64xi32, #tpu.memory_space<vmem>>) semaphore(%arg23 : memref<!tpu.dma_semaphore, #tpu.memory_space<semaphore_mem>>)
      } else {
      }
      %dma_wait3A_178 = arith.constant 0 : i32
      %dma_wait3A_179 = tpu.memref_slice %arg7[%dma_wait3A_178] : memref<6400xi32, #tpu.memory_space<vmem>> -> memref<64xi32, #tpu.memory_space<vmem>>
      %dma_wait3A_180 = arith.constant 0 : i32
      %dma_wait3A_181 = arith.constant 0 : i32
      %dma_wait3A_182 = tpu.memref_slice %arg29[%dma_wait3A_180, %dma_wait3A_181] : memref<1000x128xf32, #tpu.memory_space<vmem_shared>> -> memref<1000x128xf32, #tpu.memory_space<vmem_shared>>
      tpu.wait_indirect_dma semaphore(%arg24 : memref<!tpu.dma_semaphore, #tpu.memory_space<semaphore_mem>>) src(%dma_wait3A_182 : memref<1000x128xf32, #tpu.memory_space<vmem_shared>>) dst(%arg12 : memref<64x128xf32, #tpu.memory_space<vmem>>)
      %dma_wait3A_183 = arith.constant 0 : i32
      %dma_wait3A_184 = tpu.memref_slice %arg8[%dma_wait3A_183] : memref<6400xi32, #tpu.memory_space<vmem>> -> memref<64xi32, #tpu.memory_space<vmem>>
      %dma_wait3A_185 = arith.constant 0 : i32
      %dma_wait3A_186 = arith.constant 0 : i32
      %dma_wait3A_187 = tpu.memref_slice %arg30[%dma_wait3A_185, %dma_wait3A_186] : memref<1000x128xf32, #tpu.memory_space<vmem_shared>> -> memref<1000x128xf32, #tpu.memory_space<vmem_shared>>
      tpu.wait_indirect_dma semaphore(%arg24 : memref<!tpu.dma_semaphore, #tpu.memory_space<semaphore_mem>>) src(%dma_wait3A_187 : memref<1000x128xf32, #tpu.memory_space<vmem_shared>>) dst(%arg16 : memref<64x128xf32, #tpu.memory_space<vmem>>)
      %gt3A_188 = arith.constant 0 : i32
      %gt3A_189 = arith.cmpi sgt, %add3A_75, %gt3A_188 : i32
      %convert_element_type3A_190 = arith.extui %gt3A_189 : i1 to i32
      %cond3A_191 = arith.constant 0 : i32
      %cond3A_192 = arith.cmpi ne, %convert_element_type3A_190, %cond3A_191 : i32
      scf.if %cond3A_192 {
        %dma_wait3A_212 = arith.constant 0 : i32
        %dma_wait3A_213 = arith.constant 0 : i32
        %dma_wait3A_214 = tpu.memref_slice %arg6[%dma_wait3A_212, %dma_wait3A_213] : memref<204800x128xf32, #tpu.memory_space<hbm>> -> memref<64x128xf32, #tpu.memory_space<hbm>>
        %dma_wait3A_215 = arith.constant 0 : i32
        %dma_wait3A_216 = arith.constant 0 : i32
        %dma_wait3A_217 = tpu.memref_slice %arg6[%dma_wait3A_215, %dma_wait3A_216] : memref<204800x128xf32, #tpu.memory_space<hbm>> -> memref<64x128xf32, #tpu.memory_space<hbm>>
        tpu.wait_dma2 semaphore(%arg28 : memref<!tpu.dma_semaphore, #tpu.memory_space<semaphore_mem>>) src(%arg20 : memref<64x128xf32, #tpu.memory_space<vmem>>) dst(%dma_wait3A_217 : memref<64x128xf32, #tpu.memory_space<hbm>>)
      } else {
      }
      %scan3A_193 = arith.constant 0 : i32
      %scan3A_194 = arith.constant 64 : i32
      %scan3A_195 = arith.addi %scan3A_193, %scan3A_194 : i32
      %scan3A_196 = arith.constant 1 : i32
      scf.for %scan3A_212 = %scan3A_193 to %scan3A_195 step %scan3A_196  : i32 {
        %mul3A_213 = arith.constant 1 : i32
        %mul3A_214 = arith.muli %scan3A_212, %mul3A_213 : i32
        %add3A_215 = arith.constant 0 : i32
        %add3A_216 = arith.addi %add3A_215, %mul3A_214 : i32
        %get3A = arith.index_cast %add3A_216 : i32 to index
        %get3A_217 = arith.constant 0 : index
        %get3A_218 = tpu.vector_load %arg12[%get3A, %get3A_217] {strides = array<i32>} : memref<64x128xf32, #tpu.memory_space<vmem>>, vector<1x16xf32>,
        %get3A_219 = vector.shape_cast %get3A_218 : vector<1x16xf32> to vector<16xf32>
        %get3A_220 = arith.index_cast %add3A_216 : i32 to index
        %get3A_221 = arith.constant 0 : index
        %get3A_222 = tpu.vector_load %arg16[%get3A_220, %get3A_221] {strides = array<i32>} : memref<64x128xf32, #tpu.memory_space<vmem>>, vector<1x16xf32>,
        %get3A_223 = vector.shape_cast %get3A_222 : vector<1x16xf32> to vector<16xf32>
        %add3A_224 = arith.addf %get3A_219, %get3A_223 : vector<16xf32>
        %swap3A = arith.index_cast %add3A_216 : i32 to index
        %swap3A_225 = arith.constant 0 : index
        %swap3A_226 = tpu.vector_load %arg20[%swap3A, %swap3A_225] {strides = array<i32>} : memref<64x128xf32, #tpu.memory_space<vmem>>, vector<1x16xf32>,
        %swap3A_227 = vector.shape_cast %swap3A_226 : vector<1x16xf32> to vector<16xf32>
        %swap3A_228 = vector.shape_cast %add3A_224 : vector<16xf32> to vector<1x16xf32>
        tpu.vector_store %arg20[%swap3A, %swap3A_225], %swap3A_228 {strides = array<i32>} : memref<64x128xf32, #tpu.memory_space<vmem>>, vector<1x16xf32>,
        %get3A_229 = arith.index_cast %add3A_216 : i32 to index
        %get3A_230 = arith.constant 16 : index
        %get3A_231 = tpu.vector_load %arg12[%get3A_229, %get3A_230] {strides = array<i32>} : memref<64x128xf32, #tpu.memory_space<vmem>>, vector<1x16xf32>,
        %get3A_232 = vector.shape_cast %get3A_231 : vector<1x16xf32> to vector<16xf32>
        %get3A_233 = arith.index_cast %add3A_216 : i32 to index
        %get3A_234 = arith.constant 16 : index
        %get3A_235 = tpu.vector_load %arg16[%get3A_233, %get3A_234] {strides = array<i32>} : memref<64x128xf32, #tpu.memory_space<vmem>>, vector<1x16xf32>,
        %get3A_236 = vector.shape_cast %get3A_235 : vector<1x16xf32> to vector<16xf32>
        %add3A_237 = arith.addf %get3A_232, %get3A_236 : vector<16xf32>
        %swap3A_238 = arith.index_cast %add3A_216 : i32 to index
        %swap3A_239 = arith.constant 16 : index
        %swap3A_240 = tpu.vector_load %arg20[%swap3A_238, %swap3A_239] {strides = array<i32>} : memref<64x128xf32, #tpu.memory_space<vmem>>, vector<1x16xf32>,
        %swap3A_241 = vector.shape_cast %swap3A_240 : vector<1x16xf32> to vector<16xf32>
        %swap3A_242 = vector.shape_cast %add3A_237 : vector<16xf32> to vector<1x16xf32>
        tpu.vector_store %arg20[%swap3A_238, %swap3A_239], %swap3A_242 {strides = array<i32>} : memref<64x128xf32, #tpu.memory_space<vmem>>, vector<1x16xf32>,
        %get3A_243 = arith.index_cast %add3A_216 : i32 to index
        %get3A_244 = arith.constant 32 : index
        %get3A_245 = tpu.vector_load %arg12[%get3A_243, %get3A_244] {strides = array<i32>} : memref<64x128xf32, #tpu.memory_space<vmem>>, vector<1x16xf32>,
        %get3A_246 = vector.shape_cast %get3A_245 : vector<1x16xf32> to vector<16xf32>
        %get3A_247 = arith.index_cast %add3A_216 : i32 to index
        %get3A_248 = arith.constant 32 : index
        %get3A_249 = tpu.vector_load %arg16[%get3A_247, %get3A_248] {strides = array<i32>} : memref<64x128xf32, #tpu.memory_space<vmem>>, vector<1x16xf32>,
        %get3A_250 = vector.shape_cast %get3A_249 : vector<1x16xf32> to vector<16xf32>
        %add3A_251 = arith.addf %get3A_246, %get3A_250 : vector<16xf32>
        %swap3A_252 = arith.index_cast %add3A_216 : i32 to index
        %swap3A_253 = arith.constant 32 : index
        %swap3A_254 = tpu.vector_load %arg20[%swap3A_252, %swap3A_253] {strides = array<i32>} : memref<64x128xf32, #tpu.memory_space<vmem>>, vector<1x16xf32>,
        %swap3A_255 = vector.shape_cast %swap3A_254 : vector<1x16xf32> to vector<16xf32>
        %swap3A_256 = vector.shape_cast %add3A_251 : vector<16xf32> to vector<1x16xf32>
        tpu.vector_store %arg20[%swap3A_252, %swap3A_253], %swap3A_256 {strides = array<i32>} : memref<64x128xf32, #tpu.memory_space<vmem>>, vector<1x16xf32>,
        %get3A_257 = arith.index_cast %add3A_216 : i32 to index
        %get3A_258 = arith.constant 48 : index
        %get3A_259 = tpu.vector_load %arg12[%get3A_257, %get3A_258] {strides = array<i32>} : memref<64x128xf32, #tpu.memory_space<vmem>>, vector<1x16xf32>,
        %get3A_260 = vector.shape_cast %get3A_259 : vector<1x16xf32> to vector<16xf32>
        %get3A_261 = arith.index_cast %add3A_216 : i32 to index
        %get3A_262 = arith.constant 48 : index
        %get3A_263 = tpu.vector_load %arg16[%get3A_261, %get3A_262] {strides = array<i32>} : memref<64x128xf32, #tpu.memory_space<vmem>>, vector<1x16xf32>,
        %get3A_264 = vector.shape_cast %get3A_263 : vector<1x16xf32> to vector<16xf32>
        %add3A_265 = arith.addf %get3A_260, %get3A_264 : vector<16xf32>
        %swap3A_266 = arith.index_cast %add3A_216 : i32 to index
        %swap3A_267 = arith.constant 48 : index
        %swap3A_268 = tpu.vector_load %arg20[%swap3A_266, %swap3A_267] {strides = array<i32>} : memref<64x128xf32, #tpu.memory_space<vmem>>, vector<1x16xf32>,
        %swap3A_269 = vector.shape_cast %swap3A_268 : vector<1x16xf32> to vector<16xf32>
        %swap3A_270 = vector.shape_cast %add3A_265 : vector<16xf32> to vector<1x16xf32>
        tpu.vector_store %arg20[%swap3A_266, %swap3A_267], %swap3A_270 {strides = array<i32>} : memref<64x128xf32, #tpu.memory_space<vmem>>, vector<1x16xf32>,
        %get3A_271 = arith.index_cast %add3A_216 : i32 to index
        %get3A_272 = arith.constant 64 : index
        %get3A_273 = tpu.vector_load %arg12[%get3A_271, %get3A_272] {strides = array<i32>} : memref<64x128xf32, #tpu.memory_space<vmem>>, vector<1x16xf32>,
        %get3A_274 = vector.shape_cast %get3A_273 : vector<1x16xf32> to vector<16xf32>
        %get3A_275 = arith.index_cast %add3A_216 : i32 to index
        %get3A_276 = arith.constant 64 : index
        %get3A_277 = tpu.vector_load %arg16[%get3A_275, %get3A_276] {strides = array<i32>} : memref<64x128xf32, #tpu.memory_space<vmem>>, vector<1x16xf32>,
        %get3A_278 = vector.shape_cast %get3A_277 : vector<1x16xf32> to vector<16xf32>
        %add3A_279 = arith.addf %get3A_274, %get3A_278 : vector<16xf32>
        %swap3A_280 = arith.index_cast %add3A_216 : i32 to index
        %swap3A_281 = arith.constant 64 : index
        %swap3A_282 = tpu.vector_load %arg20[%swap3A_280, %swap3A_281] {strides = array<i32>} : memref<64x128xf32, #tpu.memory_space<vmem>>, vector<1x16xf32>,
        %swap3A_283 = vector.shape_cast %swap3A_282 : vector<1x16xf32> to vector<16xf32>
        %swap3A_284 = vector.shape_cast %add3A_279 : vector<16xf32> to vector<1x16xf32>
        tpu.vector_store %arg20[%swap3A_280, %swap3A_281], %swap3A_284 {strides = array<i32>} : memref<64x128xf32, #tpu.memory_space<vmem>>, vector<1x16xf32>,
        %get3A_285 = arith.index_cast %add3A_216 : i32 to index
        %get3A_286 = arith.constant 80 : index
        %get3A_287 = tpu.vector_load %arg12[%get3A_285, %get3A_286] {strides = array<i32>} : memref<64x128xf32, #tpu.memory_space<vmem>>, vector<1x16xf32>,
        %get3A_288 = vector.shape_cast %get3A_287 : vector<1x16xf32> to vector<16xf32>
        %get3A_289 = arith.index_cast %add3A_216 : i32 to index
        %get3A_290 = arith.constant 80 : index
        %get3A_291 = tpu.vector_load %arg16[%get3A_289, %get3A_290] {strides = array<i32>} : memref<64x128xf32, #tpu.memory_space<vmem>>, vector<1x16xf32>,
        %get3A_292 = vector.shape_cast %get3A_291 : vector<1x16xf32> to vector<16xf32>
        %add3A_293 = arith.addf %get3A_288, %get3A_292 : vector<16xf32>
        %swap3A_294 = arith.index_cast %add3A_216 : i32 to index
        %swap3A_295 = arith.constant 80 : index
        %swap3A_296 = tpu.vector_load %arg20[%swap3A_294, %swap3A_295] {strides = array<i32>} : memref<64x128xf32, #tpu.memory_space<vmem>>, vector<1x16xf32>,
        %swap3A_297 = vector.shape_cast %swap3A_296 : vector<1x16xf32> to vector<16xf32>
        %swap3A_298 = vector.shape_cast %add3A_293 : vector<16xf32> to vector<1x16xf32>
        tpu.vector_store %arg20[%swap3A_294, %swap3A_295], %swap3A_298 {strides = array<i32>} : memref<64x128xf32, #tpu.memory_space<vmem>>, vector<1x16xf32>,
        %get3A_299 = arith.index_cast %add3A_216 : i32 to index
        %get3A_300 = arith.constant 96 : index
        %get3A_301 = tpu.vector_load %arg12[%get3A_299, %get3A_300] {strides = array<i32>} : memref<64x128xf32, #tpu.memory_space<vmem>>, vector<1x16xf32>,
        %get3A_302 = vector.shape_cast %get3A_301 : vector<1x16xf32> to vector<16xf32>
        %get3A_303 = arith.index_cast %add3A_216 : i32 to index
        %get3A_304 = arith.constant 96 : index
        %get3A_305 = tpu.vector_load %arg16[%get3A_303, %get3A_304] {strides = array<i32>} : memref<64x128xf32, #tpu.memory_space<vmem>>, vector<1x16xf32>,
        %get3A_306 = vector.shape_cast %get3A_305 : vector<1x16xf32> to vector<16xf32>
        %add3A_307 = arith.addf %get3A_302, %get3A_306 : vector<16xf32>
        %swap3A_308 = arith.index_cast %add3A_216 : i32 to index
        %swap3A_309 = arith.constant 96 : index
        %swap3A_310 = tpu.vector_load %arg20[%swap3A_308, %swap3A_309] {strides = array<i32>} : memref<64x128xf32, #tpu.memory_space<vmem>>, vector<1x16xf32>,
        %swap3A_311 = vector.shape_cast %swap3A_310 : vector<1x16xf32> to vector<16xf32>
        %swap3A_312 = vector.shape_cast %add3A_307 : vector<16xf32> to vector<1x16xf32>
        tpu.vector_store %arg20[%swap3A_308, %swap3A_309], %swap3A_312 {strides = array<i32>} : memref<64x128xf32, #tpu.memory_space<vmem>>, vector<1x16xf32>,
        %get3A_313 = arith.index_cast %add3A_216 : i32 to index
        %get3A_314 = arith.constant 112 : index
        %get3A_315 = tpu.vector_load %arg12[%get3A_313, %get3A_314] {strides = array<i32>} : memref<64x128xf32, #tpu.memory_space<vmem>>, vector<1x16xf32>,
        %get3A_316 = vector.shape_cast %get3A_315 : vector<1x16xf32> to vector<16xf32>
        %get3A_317 = arith.index_cast %add3A_216 : i32 to index
        %get3A_318 = arith.constant 112 : index
        %get3A_319 = tpu.vector_load %arg16[%get3A_317, %get3A_318] {strides = array<i32>} : memref<64x128xf32, #tpu.memory_space<vmem>>, vector<1x16xf32>,
        %get3A_320 = vector.shape_cast %get3A_319 : vector<1x16xf32> to vector<16xf32>
        %add3A_321 = arith.addf %get3A_316, %get3A_320 : vector<16xf32>
        %swap3A_322 = arith.index_cast %add3A_216 : i32 to index
        %swap3A_323 = arith.constant 112 : index
        %swap3A_324 = tpu.vector_load %arg20[%swap3A_322, %swap3A_323] {strides = array<i32>} : memref<64x128xf32, #tpu.memory_space<vmem>>, vector<1x16xf32>,
        %swap3A_325 = vector.shape_cast %swap3A_324 : vector<1x16xf32> to vector<16xf32>
        %swap3A_326 = vector.shape_cast %add3A_321 : vector<16xf32> to vector<1x16xf32>
        tpu.vector_store %arg20[%swap3A_322, %swap3A_323], %swap3A_326 {strides = array<i32>} : memref<64x128xf32, #tpu.memory_space<vmem>>, vector<1x16xf32>,
      }
      %scan3A_197 = arith.constant 64 : i32
      %add3A_198 = arith.constant 3 : i32
      %add3A_199 = arith.addi %mul3A_77, %add3A_198 : i32
      %mul3A_200 = arith.constant 64 : i32
      %mul3A_201 = arith.muli %add3A_199, %mul3A_200 : i32
      %add3A_202 = arith.addi %mul3A_4, %mul3A_201 : i32
      %dma_start3A_203 = arith.constant 0 : i32
      %dma_start3A_204 = tpu.memref_slice %arg6[%add3A_202, %dma_start3A_203] : memref<204800x128xf32, #tpu.memory_space<hbm>> -> memref<64x128xf32, #tpu.memory_space<hbm>>
      %dma_start3A_205 = arith.constant 0 : i32
      %dma_start3A_206 = tpu.memref_slice %arg6[%add3A_202, %dma_start3A_205] : memref<204800x128xf32, #tpu.memory_space<hbm>> -> memref<64x128xf32, #tpu.memory_space<hbm>>
      tpu.enqueue_dma source(%arg20 : memref<64x128xf32, #tpu.memory_space<vmem>>) target(%dma_start3A_206 : memref<64x128xf32, #tpu.memory_space<hbm>>) target_semaphore(%arg28 : memref<!tpu.dma_semaphore, #tpu.memory_space<semaphore_mem>>)
      %lt3A_207 = arith.constant 24 : i32
      %lt3A_208 = arith.cmpi slt, %add3A_75, %lt3A_207 : i32
      %convert_element_type3A_209 = arith.extui %lt3A_208 : i1 to i32
      %cond3A_210 = arith.constant 0 : i32
      %cond3A_211 = arith.cmpi ne, %convert_element_type3A_209, %cond3A_210 : i32
      scf.if %cond3A_211 {
        %add3A_212 = arith.constant 4 : i32
        %add3A_213 = arith.addi %mul3A_77, %add3A_212 : i32
        %add3A_214 = arith.constant 3 : i32
        %add3A_215 = arith.addi %add3A_213, %add3A_214 : i32
        %mul3A_216 = arith.constant 64 : i32
        %mul3A_217 = arith.muli %add3A_215, %mul3A_216 : i32
        %dma_start3A_218 = tpu.memref_slice %arg7[%mul3A_217] : memref<6400xi32, #tpu.memory_space<vmem>> -> memref<64xi32, #tpu.memory_space<vmem>>
        %dma_start3A_219 = arith.constant 0 : i32
        %dma_start3A_220 = arith.constant 0 : i32
        %dma_start3A_221 = tpu.memref_slice %arg29[%dma_start3A_219, %dma_start3A_220] : memref<1000x128xf32, #tpu.memory_space<vmem_shared>> -> memref<1000x128xf32, #tpu.memory_space<vmem_shared>>
        tpu.enqueue_indirect_dma source(%dma_start3A_221 : memref<1000x128xf32, #tpu.memory_space<vmem_shared>>) target(%arg12 : memref<64x128xf32, #tpu.memory_space<vmem>>) offsets(%dma_start3A_218 : memref<64xi32, #tpu.memory_space<vmem>>) semaphore(%arg24 : memref<!tpu.dma_semaphore, #tpu.memory_space<semaphore_mem>>)
        %mul3A_222 = arith.constant 64 : i32
        %mul3A_223 = arith.muli %add3A_215, %mul3A_222 : i32
        %dma_start3A_224 = tpu.memref_slice %arg8[%mul3A_223] : memref<6400xi32, #tpu.memory_space<vmem>> -> memref<64xi32, #tpu.memory_space<vmem>>
        %dma_start3A_225 = arith.constant 0 : i32
        %dma_start3A_226 = arith.constant 0 : i32
        %dma_start3A_227 = tpu.memref_slice %arg30[%dma_start3A_225, %dma_start3A_226] : memref<1000x128xf32, #tpu.memory_space<vmem_shared>> -> memref<1000x128xf32, #tpu.memory_space<vmem_shared>>
        tpu.enqueue_indirect_dma source(%dma_start3A_227 : memref<1000x128xf32, #tpu.memory_space<vmem_shared>>) target(%arg16 : memref<64x128xf32, #tpu.memory_space<vmem>>) offsets(%dma_start3A_224 : memref<64xi32, #tpu.memory_space<vmem>>) semaphore(%arg24 : memref<!tpu.dma_semaphore, #tpu.memory_space<semaphore_mem>>)
      } else {
      }
    }
    %scan3A_47 = arith.constant 25 : i32
    %dma_wait3A = arith.constant 0 : i32
    %dma_wait3A_48 = arith.constant 0 : i32
    %dma_wait3A_49 = tpu.memref_slice %arg6[%dma_wait3A, %dma_wait3A_48] : memref<204800x128xf32, #tpu.memory_space<hbm>> -> memref<64x128xf32, #tpu.memory_space<hbm>>
    %dma_wait3A_50 = arith.constant 0 : i32
    %dma_wait3A_51 = arith.constant 0 : i32
    %dma_wait3A_52 = tpu.memref_slice %arg6[%dma_wait3A_50, %dma_wait3A_51] : memref<204800x128xf32, #tpu.memory_space<hbm>> -> memref<64x128xf32, #tpu.memory_space<hbm>>
    tpu.wait_dma2 semaphore(%arg25 : memref<!tpu.dma_semaphore, #tpu.memory_space<semaphore_mem>>) src(%arg17 : memref<64x128xf32, #tpu.memory_space<vmem>>) dst(%dma_wait3A_52 : memref<64x128xf32, #tpu.memory_space<hbm>>)
    %dma_wait3A_53 = arith.constant 0 : i32
    %dma_wait3A_54 = arith.constant 0 : i32
    %dma_wait3A_55 = tpu.memref_slice %arg6[%dma_wait3A_53, %dma_wait3A_54] : memref<204800x128xf32, #tpu.memory_space<hbm>> -> memref<64x128xf32, #tpu.memory_space<hbm>>
    %dma_wait3A_56 = arith.constant 0 : i32
    %dma_wait3A_57 = arith.constant 0 : i32
    %dma_wait3A_58 = tpu.memref_slice %arg6[%dma_wait3A_56, %dma_wait3A_57] : memref<204800x128xf32, #tpu.memory_space<hbm>> -> memref<64x128xf32, #tpu.memory_space<hbm>>
    tpu.wait_dma2 semaphore(%arg26 : memref<!tpu.dma_semaphore, #tpu.memory_space<semaphore_mem>>) src(%arg18 : memref<64x128xf32, #tpu.memory_space<vmem>>) dst(%dma_wait3A_58 : memref<64x128xf32, #tpu.memory_space<hbm>>)
    %dma_wait3A_59 = arith.constant 0 : i32
    %dma_wait3A_60 = arith.constant 0 : i32
    %dma_wait3A_61 = tpu.memref_slice %arg6[%dma_wait3A_59, %dma_wait3A_60] : memref<204800x128xf32, #tpu.memory_space<hbm>> -> memref<64x128xf32, #tpu.memory_space<hbm>>
    %dma_wait3A_62 = arith.constant 0 : i32
    %dma_wait3A_63 = arith.constant 0 : i32
    %dma_wait3A_64 = tpu.memref_slice %arg6[%dma_wait3A_62, %dma_wait3A_63] : memref<204800x128xf32, #tpu.memory_space<hbm>> -> memref<64x128xf32, #tpu.memory_space<hbm>>
    tpu.wait_dma2 semaphore(%arg27 : memref<!tpu.dma_semaphore, #tpu.memory_space<semaphore_mem>>) src(%arg19 : memref<64x128xf32, #tpu.memory_space<vmem>>) dst(%dma_wait3A_64 : memref<64x128xf32, #tpu.memory_space<hbm>>)
    %dma_wait3A_65 = arith.constant 0 : i32
    %dma_wait3A_66 = arith.constant 0 : i32
    %dma_wait3A_67 = tpu.memref_slice %arg6[%dma_wait3A_65, %dma_wait3A_66] : memref<204800x128xf32, #tpu.memory_space<hbm>> -> memref<64x128xf32, #tpu.memory_space<hbm>>
    %dma_wait3A_68 = arith.constant 0 : i32
    %dma_wait3A_69 = arith.constant 0 : i32
    %dma_wait3A_70 = tpu.memref_slice %arg6[%dma_wait3A_68, %dma_wait3A_69] : memref<204800x128xf32, #tpu.memory_space<hbm>> -> memref<64x128xf32, #tpu.memory_space<hbm>>
    tpu.wait_dma2 semaphore(%arg28 : memref<!tpu.dma_semaphore, #tpu.memory_space<semaphore_mem>>) src(%arg20 : memref<64x128xf32, #tpu.memory_space<vmem>>) dst(%dma_wait3A_70 : memref<64x128xf32, #tpu.memory_space<hbm>>)
    return
  }
}

#map = affine_map<(d0, d1) -> (0, 0)>
#map1 = affine_map<(d0, d1) -> (0)>
module attributes {stable_mosaic.version = 14 : i64} {
  func.func @k(%arg0: i32, %arg1: i32, %arg2: memref<100000x128xf32, #tpu.memory_space<hbm>>, %arg3: memref<204800x128xf32, #tpu.memory_space<hbm>>, %arg4: memref<204800xi32, #tpu.memory_space<hbm>>, %arg5: memref<204800x128xf32, #tpu.memory_space<hbm>>, %arg6: memref<6400xi32, #tpu.memory_space<vmem>>, %arg7: memref<128x128xf32, #tpu.memory_space<vmem>>, %arg8: memref<128x128xf32, #tpu.memory_space<vmem>>, %arg9: memref<128x128xf32, #tpu.memory_space<vmem>>, %arg10: memref<128x128xf32, #tpu.memory_space<vmem>>, %arg11: memref<128x128xf32, #tpu.memory_space<vmem>>, %arg12: memref<128x128xf32, #tpu.memory_space<vmem>>, %arg13: memref<!tpu.dma_semaphore, #tpu.memory_space<semaphore_mem>>, %arg14: memref<!tpu.dma_semaphore, #tpu.memory_space<semaphore_mem>>, %arg15: memref<!tpu.dma_semaphore, #tpu.memory_space<semaphore_mem>>, %arg16: memref<!tpu.dma_semaphore, #tpu.memory_space<semaphore_mem>>) attributes {dimension_semantics = [#tpu.dimension_semantics<core_parallel>, #tpu.dimension_semantics<subcore_parallel>], iteration_bounds = array<i64: 2, 16>, scalar_prefetch = 0 : i64, scratch_operands = 11 : i64, tpu.core_type = #tpu.core_type<sc_vector_subcore>, window_params = [{transform_indices = #map}, {transform_indices = #map}, {transform_indices = #map1}, {transform_indices = #map}]} {
    %mul3A = arith.constant 2 : i32
    %mul3A_0 = arith.muli %arg1, %mul3A : i32
    %add3A = arith.addi %mul3A_0, %arg0 : i32
    %mul3A_1 = arith.constant 6400 : i32
    %mul3A_2 = arith.muli %add3A, %mul3A_1 : i32
    "tpu.region"() ({
      %run_scoped3A = tpu.sem_alloc : memref<!tpu.dma_semaphore, #tpu.memory_space<semaphore_mem>>
      %dma_start3A_39 = tpu.memref_slice %arg4[%mul3A_2] : memref<204800xi32, #tpu.memory_space<hbm>> -> memref<6400xi32, #tpu.memory_space<hbm>>
      %dma_start3A_40 = tpu.memref_slice %arg4[%mul3A_2] : memref<204800xi32, #tpu.memory_space<hbm>> -> memref<6400xi32, #tpu.memory_space<hbm>>
      tpu.enqueue_dma source(%dma_start3A_40 : memref<6400xi32, #tpu.memory_space<hbm>>) target(%arg6 : memref<6400xi32, #tpu.memory_space<vmem>>) target_semaphore(%run_scoped3A : memref<!tpu.dma_semaphore, #tpu.memory_space<semaphore_mem>>)
      %dma_wait3A_41 = tpu.memref_slice %arg4[%mul3A_2] : memref<204800xi32, #tpu.memory_space<hbm>> -> memref<6400xi32, #tpu.memory_space<hbm>>
      %dma_wait3A_42 = tpu.memref_slice %arg4[%mul3A_2] : memref<204800xi32, #tpu.memory_space<hbm>> -> memref<6400xi32, #tpu.memory_space<hbm>>
      tpu.wait_dma2 semaphore(%run_scoped3A : memref<!tpu.dma_semaphore, #tpu.memory_space<semaphore_mem>>) src(%dma_wait3A_42 : memref<6400xi32, #tpu.memory_space<hbm>>) dst(%arg6 : memref<6400xi32, #tpu.memory_space<vmem>>)
      tpu.yield
    }) : () -> ()
    %dma_start3A = arith.constant 0 : i32
    %dma_start3A_3 = tpu.memref_slice %arg6[%dma_start3A] : memref<6400xi32, #tpu.memory_space<vmem>> -> memref<128xi32, #tpu.memory_space<vmem>>
    %dma_start3A_4 = arith.constant 0 : i32
    %dma_start3A_5 = arith.constant 0 : i32
    %dma_start3A_6 = tpu.memref_slice %arg2[%dma_start3A_4, %dma_start3A_5] : memref<100000x128xf32, #tpu.memory_space<hbm>> -> memref<100000x128xf32, #tpu.memory_space<hbm>>
    tpu.enqueue_indirect_dma source(%dma_start3A_6 : memref<100000x128xf32, #tpu.memory_space<hbm>>) target(%arg7 : memref<128x128xf32, #tpu.memory_space<vmem>>) offsets(%dma_start3A_3 : memref<128xi32, #tpu.memory_space<vmem>>) semaphore(%arg13 : memref<!tpu.dma_semaphore, #tpu.memory_space<semaphore_mem>>)
    %add3A_7 = arith.constant 0 : i32
    %add3A_8 = arith.addi %mul3A_2, %add3A_7 : i32
    %dma_start3A_9 = arith.constant 0 : i32
    %dma_start3A_10 = tpu.memref_slice %arg3[%add3A_8, %dma_start3A_9] : memref<204800x128xf32, #tpu.memory_space<hbm>> -> memref<128x128xf32, #tpu.memory_space<hbm>>
    %dma_start3A_11 = arith.constant 0 : i32
    %dma_start3A_12 = tpu.memref_slice %arg3[%add3A_8, %dma_start3A_11] : memref<204800x128xf32, #tpu.memory_space<hbm>> -> memref<128x128xf32, #tpu.memory_space<hbm>>
    tpu.enqueue_dma source(%dma_start3A_12 : memref<128x128xf32, #tpu.memory_space<hbm>>) target(%arg9 : memref<128x128xf32, #tpu.memory_space<vmem>>) target_semaphore(%arg13 : memref<!tpu.dma_semaphore, #tpu.memory_space<semaphore_mem>>)
    %dma_start3A_13 = arith.constant 128 : i32
    %dma_start3A_14 = tpu.memref_slice %arg6[%dma_start3A_13] : memref<6400xi32, #tpu.memory_space<vmem>> -> memref<128xi32, #tpu.memory_space<vmem>>
    %dma_start3A_15 = arith.constant 0 : i32
    %dma_start3A_16 = arith.constant 0 : i32
    %dma_start3A_17 = tpu.memref_slice %arg2[%dma_start3A_15, %dma_start3A_16] : memref<100000x128xf32, #tpu.memory_space<hbm>> -> memref<100000x128xf32, #tpu.memory_space<hbm>>
    tpu.enqueue_indirect_dma source(%dma_start3A_17 : memref<100000x128xf32, #tpu.memory_space<hbm>>) target(%arg8 : memref<128x128xf32, #tpu.memory_space<vmem>>) offsets(%dma_start3A_14 : memref<128xi32, #tpu.memory_space<vmem>>) semaphore(%arg14 : memref<!tpu.dma_semaphore, #tpu.memory_space<semaphore_mem>>)
    %add3A_18 = arith.constant 128 : i32
    %add3A_19 = arith.addi %mul3A_2, %add3A_18 : i32
    %dma_start3A_20 = arith.constant 0 : i32
    %dma_start3A_21 = tpu.memref_slice %arg3[%add3A_19, %dma_start3A_20] : memref<204800x128xf32, #tpu.memory_space<hbm>> -> memref<128x128xf32, #tpu.memory_space<hbm>>
    %dma_start3A_22 = arith.constant 0 : i32
    %dma_start3A_23 = tpu.memref_slice %arg3[%add3A_19, %dma_start3A_22] : memref<204800x128xf32, #tpu.memory_space<hbm>> -> memref<128x128xf32, #tpu.memory_space<hbm>>
    tpu.enqueue_dma source(%dma_start3A_23 : memref<128x128xf32, #tpu.memory_space<hbm>>) target(%arg10 : memref<128x128xf32, #tpu.memory_space<vmem>>) target_semaphore(%arg14 : memref<!tpu.dma_semaphore, #tpu.memory_space<semaphore_mem>>)
    %scan3A = arith.constant 0 : i32
    %scan3A_24 = arith.constant 25 : i32
    %scan3A_25 = arith.addi %scan3A, %scan3A_24 : i32
    %scan3A_26 = arith.constant 1 : i32
    scf.for %scan3A_39 = %scan3A to %scan3A_25 step %scan3A_26  : i32 {
      %mul3A_40 = arith.constant 1 : i32
      %mul3A_41 = arith.muli %scan3A_39, %mul3A_40 : i32
      %add3A_42 = arith.constant 0 : i32
      %add3A_43 = arith.addi %add3A_42, %mul3A_41 : i32
      %mul3A_44 = arith.constant 2 : i32
      %mul3A_45 = arith.muli %add3A_43, %mul3A_44 : i32
      %dma_wait3A_46 = arith.constant 0 : i32
      %dma_wait3A_47 = tpu.memref_slice %arg6[%dma_wait3A_46] : memref<6400xi32, #tpu.memory_space<vmem>> -> memref<128xi32, #tpu.memory_space<vmem>>
      %dma_wait3A_48 = arith.constant 0 : i32
      %dma_wait3A_49 = arith.constant 0 : i32
      %dma_wait3A_50 = tpu.memref_slice %arg2[%dma_wait3A_48, %dma_wait3A_49] : memref<100000x128xf32, #tpu.memory_space<hbm>> -> memref<100000x128xf32, #tpu.memory_space<hbm>>
      tpu.wait_indirect_dma semaphore(%arg13 : memref<!tpu.dma_semaphore, #tpu.memory_space<semaphore_mem>>) src(%dma_wait3A_50 : memref<100000x128xf32, #tpu.memory_space<hbm>>) dst(%arg7 : memref<128x128xf32, #tpu.memory_space<vmem>>)
      %add3A_51 = arith.constant 0 : i32
      %add3A_52 = arith.addi %mul3A_2, %add3A_51 : i32
      %dma_wait3A_53 = arith.constant 0 : i32
      %dma_wait3A_54 = tpu.memref_slice %arg3[%add3A_52, %dma_wait3A_53] : memref<204800x128xf32, #tpu.memory_space<hbm>> -> memref<128x128xf32, #tpu.memory_space<hbm>>
      %dma_wait3A_55 = arith.constant 0 : i32
      %dma_wait3A_56 = tpu.memref_slice %arg3[%add3A_52, %dma_wait3A_55] : memref<204800x128xf32, #tpu.memory_space<hbm>> -> memref<128x128xf32, #tpu.memory_space<hbm>>
      tpu.wait_dma2 semaphore(%arg13 : memref<!tpu.dma_semaphore, #tpu.memory_space<semaphore_mem>>) src(%dma_wait3A_56 : memref<128x128xf32, #tpu.memory_space<hbm>>) dst(%arg9 : memref<128x128xf32, #tpu.memory_space<vmem>>)
      %gt3A = arith.constant 0 : i32
      %gt3A_57 = arith.cmpi sgt, %add3A_43, %gt3A : i32
      %convert_element_type3A = arith.extui %gt3A_57 : i1 to i32
      %cond3A = arith.constant 0 : i32
      %cond3A_58 = arith.cmpi ne, %convert_element_type3A, %cond3A : i32
      scf.if %cond3A_58 {
        %dma_wait3A_112 = arith.constant 0 : i32
        %dma_wait3A_113 = arith.constant 0 : i32
        %dma_wait3A_114 = tpu.memref_slice %arg5[%dma_wait3A_112, %dma_wait3A_113] : memref<204800x128xf32, #tpu.memory_space<hbm>> -> memref<128x128xf32, #tpu.memory_space<hbm>>
        %dma_wait3A_115 = arith.constant 0 : i32
        %dma_wait3A_116 = arith.constant 0 : i32
        %dma_wait3A_117 = tpu.memref_slice %arg5[%dma_wait3A_115, %dma_wait3A_116] : memref<204800x128xf32, #tpu.memory_space<hbm>> -> memref<128x128xf32, #tpu.memory_space<hbm>>
        tpu.wait_dma2 semaphore(%arg15 : memref<!tpu.dma_semaphore, #tpu.memory_space<semaphore_mem>>) src(%arg11 : memref<128x128xf32, #tpu.memory_space<vmem>>) dst(%dma_wait3A_117 : memref<128x128xf32, #tpu.memory_space<hbm>>)
      } else {
      }
      %scan3A_59 = arith.constant 0 : i32
      %scan3A_60 = arith.constant 128 : i32
      %scan3A_61 = arith.addi %scan3A_59, %scan3A_60 : i32
      %scan3A_62 = arith.constant 1 : i32
      scf.for %scan3A_112 = %scan3A_59 to %scan3A_61 step %scan3A_62  : i32 {
        %mul3A_113 = arith.constant 1 : i32
        %mul3A_114 = arith.muli %scan3A_112, %mul3A_113 : i32
        %add3A_115 = arith.constant 0 : i32
        %add3A_116 = arith.addi %add3A_115, %mul3A_114 : i32
        %get3A = arith.index_cast %add3A_116 : i32 to index
        %get3A_117 = arith.constant 0 : index
        %get3A_118 = tpu.vector_load %arg7[%get3A, %get3A_117] {strides = array<i32>} : memref<128x128xf32, #tpu.memory_space<vmem>>, vector<1x16xf32>,
        %get3A_119 = vector.shape_cast %get3A_118 : vector<1x16xf32> to vector<16xf32>
        %get3A_120 = arith.index_cast %add3A_116 : i32 to index
        %get3A_121 = arith.constant 0 : index
        %get3A_122 = tpu.vector_load %arg9[%get3A_120, %get3A_121] {strides = array<i32>} : memref<128x128xf32, #tpu.memory_space<vmem>>, vector<1x16xf32>,
        %get3A_123 = vector.shape_cast %get3A_122 : vector<1x16xf32> to vector<16xf32>
        %add3A_124 = arith.addf %get3A_119, %get3A_123 : vector<16xf32>
        %swap3A = arith.index_cast %add3A_116 : i32 to index
        %swap3A_125 = arith.constant 0 : index
        %swap3A_126 = tpu.vector_load %arg11[%swap3A, %swap3A_125] {strides = array<i32>} : memref<128x128xf32, #tpu.memory_space<vmem>>, vector<1x16xf32>,
        %swap3A_127 = vector.shape_cast %swap3A_126 : vector<1x16xf32> to vector<16xf32>
        %swap3A_128 = vector.shape_cast %add3A_124 : vector<16xf32> to vector<1x16xf32>
        tpu.vector_store %arg11[%swap3A, %swap3A_125], %swap3A_128 {strides = array<i32>} : memref<128x128xf32, #tpu.memory_space<vmem>>, vector<1x16xf32>,
        %get3A_129 = arith.index_cast %add3A_116 : i32 to index
        %get3A_130 = arith.constant 16 : index
        %get3A_131 = tpu.vector_load %arg7[%get3A_129, %get3A_130] {strides = array<i32>} : memref<128x128xf32, #tpu.memory_space<vmem>>, vector<1x16xf32>,
        %get3A_132 = vector.shape_cast %get3A_131 : vector<1x16xf32> to vector<16xf32>
        %get3A_133 = arith.index_cast %add3A_116 : i32 to index
        %get3A_134 = arith.constant 16 : index
        %get3A_135 = tpu.vector_load %arg9[%get3A_133, %get3A_134] {strides = array<i32>} : memref<128x128xf32, #tpu.memory_space<vmem>>, vector<1x16xf32>,
        %get3A_136 = vector.shape_cast %get3A_135 : vector<1x16xf32> to vector<16xf32>
        %add3A_137 = arith.addf %get3A_132, %get3A_136 : vector<16xf32>
        %swap3A_138 = arith.index_cast %add3A_116 : i32 to index
        %swap3A_139 = arith.constant 16 : index
        %swap3A_140 = tpu.vector_load %arg11[%swap3A_138, %swap3A_139] {strides = array<i32>} : memref<128x128xf32, #tpu.memory_space<vmem>>, vector<1x16xf32>,
        %swap3A_141 = vector.shape_cast %swap3A_140 : vector<1x16xf32> to vector<16xf32>
        %swap3A_142 = vector.shape_cast %add3A_137 : vector<16xf32> to vector<1x16xf32>
        tpu.vector_store %arg11[%swap3A_138, %swap3A_139], %swap3A_142 {strides = array<i32>} : memref<128x128xf32, #tpu.memory_space<vmem>>, vector<1x16xf32>,
        %get3A_143 = arith.index_cast %add3A_116 : i32 to index
        %get3A_144 = arith.constant 32 : index
        %get3A_145 = tpu.vector_load %arg7[%get3A_143, %get3A_144] {strides = array<i32>} : memref<128x128xf32, #tpu.memory_space<vmem>>, vector<1x16xf32>,
        %get3A_146 = vector.shape_cast %get3A_145 : vector<1x16xf32> to vector<16xf32>
        %get3A_147 = arith.index_cast %add3A_116 : i32 to index
        %get3A_148 = arith.constant 32 : index
        %get3A_149 = tpu.vector_load %arg9[%get3A_147, %get3A_148] {strides = array<i32>} : memref<128x128xf32, #tpu.memory_space<vmem>>, vector<1x16xf32>,
        %get3A_150 = vector.shape_cast %get3A_149 : vector<1x16xf32> to vector<16xf32>
        %add3A_151 = arith.addf %get3A_146, %get3A_150 : vector<16xf32>
        %swap3A_152 = arith.index_cast %add3A_116 : i32 to index
        %swap3A_153 = arith.constant 32 : index
        %swap3A_154 = tpu.vector_load %arg11[%swap3A_152, %swap3A_153] {strides = array<i32>} : memref<128x128xf32, #tpu.memory_space<vmem>>, vector<1x16xf32>,
        %swap3A_155 = vector.shape_cast %swap3A_154 : vector<1x16xf32> to vector<16xf32>
        %swap3A_156 = vector.shape_cast %add3A_151 : vector<16xf32> to vector<1x16xf32>
        tpu.vector_store %arg11[%swap3A_152, %swap3A_153], %swap3A_156 {strides = array<i32>} : memref<128x128xf32, #tpu.memory_space<vmem>>, vector<1x16xf32>,
        %get3A_157 = arith.index_cast %add3A_116 : i32 to index
        %get3A_158 = arith.constant 48 : index
        %get3A_159 = tpu.vector_load %arg7[%get3A_157, %get3A_158] {strides = array<i32>} : memref<128x128xf32, #tpu.memory_space<vmem>>, vector<1x16xf32>,
        %get3A_160 = vector.shape_cast %get3A_159 : vector<1x16xf32> to vector<16xf32>
        %get3A_161 = arith.index_cast %add3A_116 : i32 to index
        %get3A_162 = arith.constant 48 : index
        %get3A_163 = tpu.vector_load %arg9[%get3A_161, %get3A_162] {strides = array<i32>} : memref<128x128xf32, #tpu.memory_space<vmem>>, vector<1x16xf32>,
        %get3A_164 = vector.shape_cast %get3A_163 : vector<1x16xf32> to vector<16xf32>
        %add3A_165 = arith.addf %get3A_160, %get3A_164 : vector<16xf32>
        %swap3A_166 = arith.index_cast %add3A_116 : i32 to index
        %swap3A_167 = arith.constant 48 : index
        %swap3A_168 = tpu.vector_load %arg11[%swap3A_166, %swap3A_167] {strides = array<i32>} : memref<128x128xf32, #tpu.memory_space<vmem>>, vector<1x16xf32>,
        %swap3A_169 = vector.shape_cast %swap3A_168 : vector<1x16xf32> to vector<16xf32>
        %swap3A_170 = vector.shape_cast %add3A_165 : vector<16xf32> to vector<1x16xf32>
        tpu.vector_store %arg11[%swap3A_166, %swap3A_167], %swap3A_170 {strides = array<i32>} : memref<128x128xf32, #tpu.memory_space<vmem>>, vector<1x16xf32>,
        %get3A_171 = arith.index_cast %add3A_116 : i32 to index
        %get3A_172 = arith.constant 64 : index
        %get3A_173 = tpu.vector_load %arg7[%get3A_171, %get3A_172] {strides = array<i32>} : memref<128x128xf32, #tpu.memory_space<vmem>>, vector<1x16xf32>,
        %get3A_174 = vector.shape_cast %get3A_173 : vector<1x16xf32> to vector<16xf32>
        %get3A_175 = arith.index_cast %add3A_116 : i32 to index
        %get3A_176 = arith.constant 64 : index
        %get3A_177 = tpu.vector_load %arg9[%get3A_175, %get3A_176] {strides = array<i32>} : memref<128x128xf32, #tpu.memory_space<vmem>>, vector<1x16xf32>,
        %get3A_178 = vector.shape_cast %get3A_177 : vector<1x16xf32> to vector<16xf32>
        %add3A_179 = arith.addf %get3A_174, %get3A_178 : vector<16xf32>
        %swap3A_180 = arith.index_cast %add3A_116 : i32 to index
        %swap3A_181 = arith.constant 64 : index
        %swap3A_182 = tpu.vector_load %arg11[%swap3A_180, %swap3A_181] {strides = array<i32>} : memref<128x128xf32, #tpu.memory_space<vmem>>, vector<1x16xf32>,
        %swap3A_183 = vector.shape_cast %swap3A_182 : vector<1x16xf32> to vector<16xf32>
        %swap3A_184 = vector.shape_cast %add3A_179 : vector<16xf32> to vector<1x16xf32>
        tpu.vector_store %arg11[%swap3A_180, %swap3A_181], %swap3A_184 {strides = array<i32>} : memref<128x128xf32, #tpu.memory_space<vmem>>, vector<1x16xf32>,
        %get3A_185 = arith.index_cast %add3A_116 : i32 to index
        %get3A_186 = arith.constant 80 : index
        %get3A_187 = tpu.vector_load %arg7[%get3A_185, %get3A_186] {strides = array<i32>} : memref<128x128xf32, #tpu.memory_space<vmem>>, vector<1x16xf32>,
        %get3A_188 = vector.shape_cast %get3A_187 : vector<1x16xf32> to vector<16xf32>
        %get3A_189 = arith.index_cast %add3A_116 : i32 to index
        %get3A_190 = arith.constant 80 : index
        %get3A_191 = tpu.vector_load %arg9[%get3A_189, %get3A_190] {strides = array<i32>} : memref<128x128xf32, #tpu.memory_space<vmem>>, vector<1x16xf32>,
        %get3A_192 = vector.shape_cast %get3A_191 : vector<1x16xf32> to vector<16xf32>
        %add3A_193 = arith.addf %get3A_188, %get3A_192 : vector<16xf32>
        %swap3A_194 = arith.index_cast %add3A_116 : i32 to index
        %swap3A_195 = arith.constant 80 : index
        %swap3A_196 = tpu.vector_load %arg11[%swap3A_194, %swap3A_195] {strides = array<i32>} : memref<128x128xf32, #tpu.memory_space<vmem>>, vector<1x16xf32>,
        %swap3A_197 = vector.shape_cast %swap3A_196 : vector<1x16xf32> to vector<16xf32>
        %swap3A_198 = vector.shape_cast %add3A_193 : vector<16xf32> to vector<1x16xf32>
        tpu.vector_store %arg11[%swap3A_194, %swap3A_195], %swap3A_198 {strides = array<i32>} : memref<128x128xf32, #tpu.memory_space<vmem>>, vector<1x16xf32>,
        %get3A_199 = arith.index_cast %add3A_116 : i32 to index
        %get3A_200 = arith.constant 96 : index
        %get3A_201 = tpu.vector_load %arg7[%get3A_199, %get3A_200] {strides = array<i32>} : memref<128x128xf32, #tpu.memory_space<vmem>>, vector<1x16xf32>,
        %get3A_202 = vector.shape_cast %get3A_201 : vector<1x16xf32> to vector<16xf32>
        %get3A_203 = arith.index_cast %add3A_116 : i32 to index
        %get3A_204 = arith.constant 96 : index
        %get3A_205 = tpu.vector_load %arg9[%get3A_203, %get3A_204] {strides = array<i32>} : memref<128x128xf32, #tpu.memory_space<vmem>>, vector<1x16xf32>,
        %get3A_206 = vector.shape_cast %get3A_205 : vector<1x16xf32> to vector<16xf32>
        %add3A_207 = arith.addf %get3A_202, %get3A_206 : vector<16xf32>
        %swap3A_208 = arith.index_cast %add3A_116 : i32 to index
        %swap3A_209 = arith.constant 96 : index
        %swap3A_210 = tpu.vector_load %arg11[%swap3A_208, %swap3A_209] {strides = array<i32>} : memref<128x128xf32, #tpu.memory_space<vmem>>, vector<1x16xf32>,
        %swap3A_211 = vector.shape_cast %swap3A_210 : vector<1x16xf32> to vector<16xf32>
        %swap3A_212 = vector.shape_cast %add3A_207 : vector<16xf32> to vector<1x16xf32>
        tpu.vector_store %arg11[%swap3A_208, %swap3A_209], %swap3A_212 {strides = array<i32>} : memref<128x128xf32, #tpu.memory_space<vmem>>, vector<1x16xf32>,
        %get3A_213 = arith.index_cast %add3A_116 : i32 to index
        %get3A_214 = arith.constant 112 : index
        %get3A_215 = tpu.vector_load %arg7[%get3A_213, %get3A_214] {strides = array<i32>} : memref<128x128xf32, #tpu.memory_space<vmem>>, vector<1x16xf32>,
        %get3A_216 = vector.shape_cast %get3A_215 : vector<1x16xf32> to vector<16xf32>
        %get3A_217 = arith.index_cast %add3A_116 : i32 to index
        %get3A_218 = arith.constant 112 : index
        %get3A_219 = tpu.vector_load %arg9[%get3A_217, %get3A_218] {strides = array<i32>} : memref<128x128xf32, #tpu.memory_space<vmem>>, vector<1x16xf32>,
        %get3A_220 = vector.shape_cast %get3A_219 : vector<1x16xf32> to vector<16xf32>
        %add3A_221 = arith.addf %get3A_216, %get3A_220 : vector<16xf32>
        %swap3A_222 = arith.index_cast %add3A_116 : i32 to index
        %swap3A_223 = arith.constant 112 : index
        %swap3A_224 = tpu.vector_load %arg11[%swap3A_222, %swap3A_223] {strides = array<i32>} : memref<128x128xf32, #tpu.memory_space<vmem>>, vector<1x16xf32>,
        %swap3A_225 = vector.shape_cast %swap3A_224 : vector<1x16xf32> to vector<16xf32>
        %swap3A_226 = vector.shape_cast %add3A_221 : vector<16xf32> to vector<1x16xf32>
        tpu.vector_store %arg11[%swap3A_222, %swap3A_223], %swap3A_226 {strides = array<i32>} : memref<128x128xf32, #tpu.memory_space<vmem>>, vector<1x16xf32>,
      }
      %scan3A_63 = arith.constant 128 : i32
      %add3A_64 = arith.constant 0 : i32
      %add3A_65 = arith.addi %mul3A_45, %add3A_64 : i32
      %mul3A_66 = arith.constant 128 : i32
      %mul3A_67 = arith.muli %add3A_65, %mul3A_66 : i32
      %add3A_68 = arith.addi %mul3A_2, %mul3A_67 : i32
      %dma_start3A_69 = arith.constant 0 : i32
      %dma_start3A_70 = tpu.memref_slice %arg5[%add3A_68, %dma_start3A_69] : memref<204800x128xf32, #tpu.memory_space<hbm>> -> memref<128x128xf32, #tpu.memory_space<hbm>>
      %dma_start3A_71 = arith.constant 0 : i32
      %dma_start3A_72 = tpu.memref_slice %arg5[%add3A_68, %dma_start3A_71] : memref<204800x128xf32, #tpu.memory_space<hbm>> -> memref<128x128xf32, #tpu.memory_space<hbm>>
      tpu.enqueue_dma source(%arg11 : memref<128x128xf32, #tpu.memory_space<vmem>>) target(%dma_start3A_72 : memref<128x128xf32, #tpu.memory_space<hbm>>) target_semaphore(%arg15 : memref<!tpu.dma_semaphore, #tpu.memory_space<semaphore_mem>>)
      %lt3A = arith.constant 24 : i32
      %lt3A_73 = arith.cmpi slt, %add3A_43, %lt3A : i32
      %convert_element_type3A_74 = arith.extui %lt3A_73 : i1 to i32
      %cond3A_75 = arith.constant 0 : i32
      %cond3A_76 = arith.cmpi ne, %convert_element_type3A_74, %cond3A_75 : i32
      scf.if %cond3A_76 {
        %add3A_112 = arith.constant 2 : i32
        %add3A_113 = arith.addi %mul3A_45, %add3A_112 : i32
        %add3A_114 = arith.constant 0 : i32
        %add3A_115 = arith.addi %add3A_113, %add3A_114 : i32
        %mul3A_116 = arith.constant 128 : i32
        %mul3A_117 = arith.muli %add3A_115, %mul3A_116 : i32
        %dma_start3A_118 = tpu.memref_slice %arg6[%mul3A_117] : memref<6400xi32, #tpu.memory_space<vmem>> -> memref<128xi32, #tpu.memory_space<vmem>>
        %dma_start3A_119 = arith.constant 0 : i32
        %dma_start3A_120 = arith.constant 0 : i32
        %dma_start3A_121 = tpu.memref_slice %arg2[%dma_start3A_119, %dma_start3A_120] : memref<100000x128xf32, #tpu.memory_space<hbm>> -> memref<100000x128xf32, #tpu.memory_space<hbm>>
        tpu.enqueue_indirect_dma source(%dma_start3A_121 : memref<100000x128xf32, #tpu.memory_space<hbm>>) target(%arg7 : memref<128x128xf32, #tpu.memory_space<vmem>>) offsets(%dma_start3A_118 : memref<128xi32, #tpu.memory_space<vmem>>) semaphore(%arg13 : memref<!tpu.dma_semaphore, #tpu.memory_space<semaphore_mem>>)
        %mul3A_122 = arith.constant 128 : i32
        %mul3A_123 = arith.muli %add3A_115, %mul3A_122 : i32
        %add3A_124 = arith.addi %mul3A_2, %mul3A_123 : i32
        %dma_start3A_125 = arith.constant 0 : i32
        %dma_start3A_126 = tpu.memref_slice %arg3[%add3A_124, %dma_start3A_125] : memref<204800x128xf32, #tpu.memory_space<hbm>> -> memref<128x128xf32, #tpu.memory_space<hbm>>
        %dma_start3A_127 = arith.constant 0 : i32
        %dma_start3A_128 = tpu.memref_slice %arg3[%add3A_124, %dma_start3A_127] : memref<204800x128xf32, #tpu.memory_space<hbm>> -> memref<128x128xf32, #tpu.memory_space<hbm>>
        tpu.enqueue_dma source(%dma_start3A_128 : memref<128x128xf32, #tpu.memory_space<hbm>>) target(%arg9 : memref<128x128xf32, #tpu.memory_space<vmem>>) target_semaphore(%arg13 : memref<!tpu.dma_semaphore, #tpu.memory_space<semaphore_mem>>)
      } else {
      }
      %dma_wait3A_77 = arith.constant 0 : i32
      %dma_wait3A_78 = tpu.memref_slice %arg6[%dma_wait3A_77] : memref<6400xi32, #tpu.memory_space<vmem>> -> memref<128xi32, #tpu.memory_space<vmem>>
      %dma_wait3A_79 = arith.constant 0 : i32
      %dma_wait3A_80 = arith.constant 0 : i32
      %dma_wait3A_81 = tpu.memref_slice %arg2[%dma_wait3A_79, %dma_wait3A_80] : memref<100000x128xf32, #tpu.memory_space<hbm>> -> memref<100000x128xf32, #tpu.memory_space<hbm>>
      tpu.wait_indirect_dma semaphore(%arg14 : memref<!tpu.dma_semaphore, #tpu.memory_space<semaphore_mem>>) src(%dma_wait3A_81 : memref<100000x128xf32, #tpu.memory_space<hbm>>) dst(%arg8 : memref<128x128xf32, #tpu.memory_space<vmem>>)
      %add3A_82 = arith.constant 0 : i32
      %add3A_83 = arith.addi %mul3A_2, %add3A_82 : i32
      %dma_wait3A_84 = arith.constant 0 : i32
      %dma_wait3A_85 = tpu.memref_slice %arg3[%add3A_83, %dma_wait3A_84] : memref<204800x128xf32, #tpu.memory_space<hbm>> -> memref<128x128xf32, #tpu.memory_space<hbm>>
      %dma_wait3A_86 = arith.constant 0 : i32
      %dma_wait3A_87 = tpu.memref_slice %arg3[%add3A_83, %dma_wait3A_86] : memref<204800x128xf32, #tpu.memory_space<hbm>> -> memref<128x128xf32, #tpu.memory_space<hbm>>
      tpu.wait_dma2 semaphore(%arg14 : memref<!tpu.dma_semaphore, #tpu.memory_space<semaphore_mem>>) src(%dma_wait3A_87 : memref<128x128xf32, #tpu.memory_space<hbm>>) dst(%arg10 : memref<128x128xf32, #tpu.memory_space<vmem>>)
      %gt3A_88 = arith.constant 0 : i32
      %gt3A_89 = arith.cmpi sgt, %add3A_43, %gt3A_88 : i32
      %convert_element_type3A_90 = arith.extui %gt3A_89 : i1 to i32
      %cond3A_91 = arith.constant 0 : i32
      %cond3A_92 = arith.cmpi ne, %convert_element_type3A_90, %cond3A_91 : i32
      scf.if %cond3A_92 {
        %dma_wait3A_112 = arith.constant 0 : i32
        %dma_wait3A_113 = arith.constant 0 : i32
        %dma_wait3A_114 = tpu.memref_slice %arg5[%dma_wait3A_112, %dma_wait3A_113] : memref<204800x128xf32, #tpu.memory_space<hbm>> -> memref<128x128xf32, #tpu.memory_space<hbm>>
        %dma_wait3A_115 = arith.constant 0 : i32
        %dma_wait3A_116 = arith.constant 0 : i32
        %dma_wait3A_117 = tpu.memref_slice %arg5[%dma_wait3A_115, %dma_wait3A_116] : memref<204800x128xf32, #tpu.memory_space<hbm>> -> memref<128x128xf32, #tpu.memory_space<hbm>>
        tpu.wait_dma2 semaphore(%arg16 : memref<!tpu.dma_semaphore, #tpu.memory_space<semaphore_mem>>) src(%arg12 : memref<128x128xf32, #tpu.memory_space<vmem>>) dst(%dma_wait3A_117 : memref<128x128xf32, #tpu.memory_space<hbm>>)
      } else {
      }
      %scan3A_93 = arith.constant 0 : i32
      %scan3A_94 = arith.constant 128 : i32
      %scan3A_95 = arith.addi %scan3A_93, %scan3A_94 : i32
      %scan3A_96 = arith.constant 1 : i32
      scf.for %scan3A_112 = %scan3A_93 to %scan3A_95 step %scan3A_96  : i32 {
        %mul3A_113 = arith.constant 1 : i32
        %mul3A_114 = arith.muli %scan3A_112, %mul3A_113 : i32
        %add3A_115 = arith.constant 0 : i32
        %add3A_116 = arith.addi %add3A_115, %mul3A_114 : i32
        %get3A = arith.index_cast %add3A_116 : i32 to index
        %get3A_117 = arith.constant 0 : index
        %get3A_118 = tpu.vector_load %arg8[%get3A, %get3A_117] {strides = array<i32>} : memref<128x128xf32, #tpu.memory_space<vmem>>, vector<1x16xf32>,
        %get3A_119 = vector.shape_cast %get3A_118 : vector<1x16xf32> to vector<16xf32>
        %get3A_120 = arith.index_cast %add3A_116 : i32 to index
        %get3A_121 = arith.constant 0 : index
        %get3A_122 = tpu.vector_load %arg10[%get3A_120, %get3A_121] {strides = array<i32>} : memref<128x128xf32, #tpu.memory_space<vmem>>, vector<1x16xf32>,
        %get3A_123 = vector.shape_cast %get3A_122 : vector<1x16xf32> to vector<16xf32>
        %add3A_124 = arith.addf %get3A_119, %get3A_123 : vector<16xf32>
        %swap3A = arith.index_cast %add3A_116 : i32 to index
        %swap3A_125 = arith.constant 0 : index
        %swap3A_126 = tpu.vector_load %arg12[%swap3A, %swap3A_125] {strides = array<i32>} : memref<128x128xf32, #tpu.memory_space<vmem>>, vector<1x16xf32>,
        %swap3A_127 = vector.shape_cast %swap3A_126 : vector<1x16xf32> to vector<16xf32>
        %swap3A_128 = vector.shape_cast %add3A_124 : vector<16xf32> to vector<1x16xf32>
        tpu.vector_store %arg12[%swap3A, %swap3A_125], %swap3A_128 {strides = array<i32>} : memref<128x128xf32, #tpu.memory_space<vmem>>, vector<1x16xf32>,
        %get3A_129 = arith.index_cast %add3A_116 : i32 to index
        %get3A_130 = arith.constant 16 : index
        %get3A_131 = tpu.vector_load %arg8[%get3A_129, %get3A_130] {strides = array<i32>} : memref<128x128xf32, #tpu.memory_space<vmem>>, vector<1x16xf32>,
        %get3A_132 = vector.shape_cast %get3A_131 : vector<1x16xf32> to vector<16xf32>
        %get3A_133 = arith.index_cast %add3A_116 : i32 to index
        %get3A_134 = arith.constant 16 : index
        %get3A_135 = tpu.vector_load %arg10[%get3A_133, %get3A_134] {strides = array<i32>} : memref<128x128xf32, #tpu.memory_space<vmem>>, vector<1x16xf32>,
        %get3A_136 = vector.shape_cast %get3A_135 : vector<1x16xf32> to vector<16xf32>
        %add3A_137 = arith.addf %get3A_132, %get3A_136 : vector<16xf32>
        %swap3A_138 = arith.index_cast %add3A_116 : i32 to index
        %swap3A_139 = arith.constant 16 : index
        %swap3A_140 = tpu.vector_load %arg12[%swap3A_138, %swap3A_139] {strides = array<i32>} : memref<128x128xf32, #tpu.memory_space<vmem>>, vector<1x16xf32>,
        %swap3A_141 = vector.shape_cast %swap3A_140 : vector<1x16xf32> to vector<16xf32>
        %swap3A_142 = vector.shape_cast %add3A_137 : vector<16xf32> to vector<1x16xf32>
        tpu.vector_store %arg12[%swap3A_138, %swap3A_139], %swap3A_142 {strides = array<i32>} : memref<128x128xf32, #tpu.memory_space<vmem>>, vector<1x16xf32>,
        %get3A_143 = arith.index_cast %add3A_116 : i32 to index
        %get3A_144 = arith.constant 32 : index
        %get3A_145 = tpu.vector_load %arg8[%get3A_143, %get3A_144] {strides = array<i32>} : memref<128x128xf32, #tpu.memory_space<vmem>>, vector<1x16xf32>,
        %get3A_146 = vector.shape_cast %get3A_145 : vector<1x16xf32> to vector<16xf32>
        %get3A_147 = arith.index_cast %add3A_116 : i32 to index
        %get3A_148 = arith.constant 32 : index
        %get3A_149 = tpu.vector_load %arg10[%get3A_147, %get3A_148] {strides = array<i32>} : memref<128x128xf32, #tpu.memory_space<vmem>>, vector<1x16xf32>,
        %get3A_150 = vector.shape_cast %get3A_149 : vector<1x16xf32> to vector<16xf32>
        %add3A_151 = arith.addf %get3A_146, %get3A_150 : vector<16xf32>
        %swap3A_152 = arith.index_cast %add3A_116 : i32 to index
        %swap3A_153 = arith.constant 32 : index
        %swap3A_154 = tpu.vector_load %arg12[%swap3A_152, %swap3A_153] {strides = array<i32>} : memref<128x128xf32, #tpu.memory_space<vmem>>, vector<1x16xf32>,
        %swap3A_155 = vector.shape_cast %swap3A_154 : vector<1x16xf32> to vector<16xf32>
        %swap3A_156 = vector.shape_cast %add3A_151 : vector<16xf32> to vector<1x16xf32>
        tpu.vector_store %arg12[%swap3A_152, %swap3A_153], %swap3A_156 {strides = array<i32>} : memref<128x128xf32, #tpu.memory_space<vmem>>, vector<1x16xf32>,
        %get3A_157 = arith.index_cast %add3A_116 : i32 to index
        %get3A_158 = arith.constant 48 : index
        %get3A_159 = tpu.vector_load %arg8[%get3A_157, %get3A_158] {strides = array<i32>} : memref<128x128xf32, #tpu.memory_space<vmem>>, vector<1x16xf32>,
        %get3A_160 = vector.shape_cast %get3A_159 : vector<1x16xf32> to vector<16xf32>
        %get3A_161 = arith.index_cast %add3A_116 : i32 to index
        %get3A_162 = arith.constant 48 : index
        %get3A_163 = tpu.vector_load %arg10[%get3A_161, %get3A_162] {strides = array<i32>} : memref<128x128xf32, #tpu.memory_space<vmem>>, vector<1x16xf32>,
        %get3A_164 = vector.shape_cast %get3A_163 : vector<1x16xf32> to vector<16xf32>
        %add3A_165 = arith.addf %get3A_160, %get3A_164 : vector<16xf32>
        %swap3A_166 = arith.index_cast %add3A_116 : i32 to index
        %swap3A_167 = arith.constant 48 : index
        %swap3A_168 = tpu.vector_load %arg12[%swap3A_166, %swap3A_167] {strides = array<i32>} : memref<128x128xf32, #tpu.memory_space<vmem>>, vector<1x16xf32>,
        %swap3A_169 = vector.shape_cast %swap3A_168 : vector<1x16xf32> to vector<16xf32>
        %swap3A_170 = vector.shape_cast %add3A_165 : vector<16xf32> to vector<1x16xf32>
        tpu.vector_store %arg12[%swap3A_166, %swap3A_167], %swap3A_170 {strides = array<i32>} : memref<128x128xf32, #tpu.memory_space<vmem>>, vector<1x16xf32>,
        %get3A_171 = arith.index_cast %add3A_116 : i32 to index
        %get3A_172 = arith.constant 64 : index
        %get3A_173 = tpu.vector_load %arg8[%get3A_171, %get3A_172] {strides = array<i32>} : memref<128x128xf32, #tpu.memory_space<vmem>>, vector<1x16xf32>,
        %get3A_174 = vector.shape_cast %get3A_173 : vector<1x16xf32> to vector<16xf32>
        %get3A_175 = arith.index_cast %add3A_116 : i32 to index
        %get3A_176 = arith.constant 64 : index
        %get3A_177 = tpu.vector_load %arg10[%get3A_175, %get3A_176] {strides = array<i32>} : memref<128x128xf32, #tpu.memory_space<vmem>>, vector<1x16xf32>,
        %get3A_178 = vector.shape_cast %get3A_177 : vector<1x16xf32> to vector<16xf32>
        %add3A_179 = arith.addf %get3A_174, %get3A_178 : vector<16xf32>
        %swap3A_180 = arith.index_cast %add3A_116 : i32 to index
        %swap3A_181 = arith.constant 64 : index
        %swap3A_182 = tpu.vector_load %arg12[%swap3A_180, %swap3A_181] {strides = array<i32>} : memref<128x128xf32, #tpu.memory_space<vmem>>, vector<1x16xf32>,
        %swap3A_183 = vector.shape_cast %swap3A_182 : vector<1x16xf32> to vector<16xf32>
        %swap3A_184 = vector.shape_cast %add3A_179 : vector<16xf32> to vector<1x16xf32>
        tpu.vector_store %arg12[%swap3A_180, %swap3A_181], %swap3A_184 {strides = array<i32>} : memref<128x128xf32, #tpu.memory_space<vmem>>, vector<1x16xf32>,
        %get3A_185 = arith.index_cast %add3A_116 : i32 to index
        %get3A_186 = arith.constant 80 : index
        %get3A_187 = tpu.vector_load %arg8[%get3A_185, %get3A_186] {strides = array<i32>} : memref<128x128xf32, #tpu.memory_space<vmem>>, vector<1x16xf32>,
        %get3A_188 = vector.shape_cast %get3A_187 : vector<1x16xf32> to vector<16xf32>
        %get3A_189 = arith.index_cast %add3A_116 : i32 to index
        %get3A_190 = arith.constant 80 : index
        %get3A_191 = tpu.vector_load %arg10[%get3A_189, %get3A_190] {strides = array<i32>} : memref<128x128xf32, #tpu.memory_space<vmem>>, vector<1x16xf32>,
        %get3A_192 = vector.shape_cast %get3A_191 : vector<1x16xf32> to vector<16xf32>
        %add3A_193 = arith.addf %get3A_188, %get3A_192 : vector<16xf32>
        %swap3A_194 = arith.index_cast %add3A_116 : i32 to index
        %swap3A_195 = arith.constant 80 : index
        %swap3A_196 = tpu.vector_load %arg12[%swap3A_194, %swap3A_195] {strides = array<i32>} : memref<128x128xf32, #tpu.memory_space<vmem>>, vector<1x16xf32>,
        %swap3A_197 = vector.shape_cast %swap3A_196 : vector<1x16xf32> to vector<16xf32>
        %swap3A_198 = vector.shape_cast %add3A_193 : vector<16xf32> to vector<1x16xf32>
        tpu.vector_store %arg12[%swap3A_194, %swap3A_195], %swap3A_198 {strides = array<i32>} : memref<128x128xf32, #tpu.memory_space<vmem>>, vector<1x16xf32>,
        %get3A_199 = arith.index_cast %add3A_116 : i32 to index
        %get3A_200 = arith.constant 96 : index
        %get3A_201 = tpu.vector_load %arg8[%get3A_199, %get3A_200] {strides = array<i32>} : memref<128x128xf32, #tpu.memory_space<vmem>>, vector<1x16xf32>,
        %get3A_202 = vector.shape_cast %get3A_201 : vector<1x16xf32> to vector<16xf32>
        %get3A_203 = arith.index_cast %add3A_116 : i32 to index
        %get3A_204 = arith.constant 96 : index
        %get3A_205 = tpu.vector_load %arg10[%get3A_203, %get3A_204] {strides = array<i32>} : memref<128x128xf32, #tpu.memory_space<vmem>>, vector<1x16xf32>,
        %get3A_206 = vector.shape_cast %get3A_205 : vector<1x16xf32> to vector<16xf32>
        %add3A_207 = arith.addf %get3A_202, %get3A_206 : vector<16xf32>
        %swap3A_208 = arith.index_cast %add3A_116 : i32 to index
        %swap3A_209 = arith.constant 96 : index
        %swap3A_210 = tpu.vector_load %arg12[%swap3A_208, %swap3A_209] {strides = array<i32>} : memref<128x128xf32, #tpu.memory_space<vmem>>, vector<1x16xf32>,
        %swap3A_211 = vector.shape_cast %swap3A_210 : vector<1x16xf32> to vector<16xf32>
        %swap3A_212 = vector.shape_cast %add3A_207 : vector<16xf32> to vector<1x16xf32>
        tpu.vector_store %arg12[%swap3A_208, %swap3A_209], %swap3A_212 {strides = array<i32>} : memref<128x128xf32, #tpu.memory_space<vmem>>, vector<1x16xf32>,
        %get3A_213 = arith.index_cast %add3A_116 : i32 to index
        %get3A_214 = arith.constant 112 : index
        %get3A_215 = tpu.vector_load %arg8[%get3A_213, %get3A_214] {strides = array<i32>} : memref<128x128xf32, #tpu.memory_space<vmem>>, vector<1x16xf32>,
        %get3A_216 = vector.shape_cast %get3A_215 : vector<1x16xf32> to vector<16xf32>
        %get3A_217 = arith.index_cast %add3A_116 : i32 to index
        %get3A_218 = arith.constant 112 : index
        %get3A_219 = tpu.vector_load %arg10[%get3A_217, %get3A_218] {strides = array<i32>} : memref<128x128xf32, #tpu.memory_space<vmem>>, vector<1x16xf32>,
        %get3A_220 = vector.shape_cast %get3A_219 : vector<1x16xf32> to vector<16xf32>
        %add3A_221 = arith.addf %get3A_216, %get3A_220 : vector<16xf32>
        %swap3A_222 = arith.index_cast %add3A_116 : i32 to index
        %swap3A_223 = arith.constant 112 : index
        %swap3A_224 = tpu.vector_load %arg12[%swap3A_222, %swap3A_223] {strides = array<i32>} : memref<128x128xf32, #tpu.memory_space<vmem>>, vector<1x16xf32>,
        %swap3A_225 = vector.shape_cast %swap3A_224 : vector<1x16xf32> to vector<16xf32>
        %swap3A_226 = vector.shape_cast %add3A_221 : vector<16xf32> to vector<1x16xf32>
        tpu.vector_store %arg12[%swap3A_222, %swap3A_223], %swap3A_226 {strides = array<i32>} : memref<128x128xf32, #tpu.memory_space<vmem>>, vector<1x16xf32>,
      }
      %scan3A_97 = arith.constant 128 : i32
      %add3A_98 = arith.constant 1 : i32
      %add3A_99 = arith.addi %mul3A_45, %add3A_98 : i32
      %mul3A_100 = arith.constant 128 : i32
      %mul3A_101 = arith.muli %add3A_99, %mul3A_100 : i32
      %add3A_102 = arith.addi %mul3A_2, %mul3A_101 : i32
      %dma_start3A_103 = arith.constant 0 : i32
      %dma_start3A_104 = tpu.memref_slice %arg5[%add3A_102, %dma_start3A_103] : memref<204800x128xf32, #tpu.memory_space<hbm>> -> memref<128x128xf32, #tpu.memory_space<hbm>>
      %dma_start3A_105 = arith.constant 0 : i32
      %dma_start3A_106 = tpu.memref_slice %arg5[%add3A_102, %dma_start3A_105] : memref<204800x128xf32, #tpu.memory_space<hbm>> -> memref<128x128xf32, #tpu.memory_space<hbm>>
      tpu.enqueue_dma source(%arg12 : memref<128x128xf32, #tpu.memory_space<vmem>>) target(%dma_start3A_106 : memref<128x128xf32, #tpu.memory_space<hbm>>) target_semaphore(%arg16 : memref<!tpu.dma_semaphore, #tpu.memory_space<semaphore_mem>>)
      %lt3A_107 = arith.constant 24 : i32
      %lt3A_108 = arith.cmpi slt, %add3A_43, %lt3A_107 : i32
      %convert_element_type3A_109 = arith.extui %lt3A_108 : i1 to i32
      %cond3A_110 = arith.constant 0 : i32
      %cond3A_111 = arith.cmpi ne, %convert_element_type3A_109, %cond3A_110 : i32
      scf.if %cond3A_111 {
        %add3A_112 = arith.constant 2 : i32
        %add3A_113 = arith.addi %mul3A_45, %add3A_112 : i32
        %add3A_114 = arith.constant 1 : i32
        %add3A_115 = arith.addi %add3A_113, %add3A_114 : i32
        %mul3A_116 = arith.constant 128 : i32
        %mul3A_117 = arith.muli %add3A_115, %mul3A_116 : i32
        %dma_start3A_118 = tpu.memref_slice %arg6[%mul3A_117] : memref<6400xi32, #tpu.memory_space<vmem>> -> memref<128xi32, #tpu.memory_space<vmem>>
        %dma_start3A_119 = arith.constant 0 : i32
        %dma_start3A_120 = arith.constant 0 : i32
        %dma_start3A_121 = tpu.memref_slice %arg2[%dma_start3A_119, %dma_start3A_120] : memref<100000x128xf32, #tpu.memory_space<hbm>> -> memref<100000x128xf32, #tpu.memory_space<hbm>>
        tpu.enqueue_indirect_dma source(%dma_start3A_121 : memref<100000x128xf32, #tpu.memory_space<hbm>>) target(%arg8 : memref<128x128xf32, #tpu.memory_space<vmem>>) offsets(%dma_start3A_118 : memref<128xi32, #tpu.memory_space<vmem>>) semaphore(%arg14 : memref<!tpu.dma_semaphore, #tpu.memory_space<semaphore_mem>>)
        %mul3A_122 = arith.constant 128 : i32
        %mul3A_123 = arith.muli %add3A_115, %mul3A_122 : i32
        %add3A_124 = arith.addi %mul3A_2, %mul3A_123 : i32
        %dma_start3A_125 = arith.constant 0 : i32
        %dma_start3A_126 = tpu.memref_slice %arg3[%add3A_124, %dma_start3A_125] : memref<204800x128xf32, #tpu.memory_space<hbm>> -> memref<128x128xf32, #tpu.memory_space<hbm>>
        %dma_start3A_127 = arith.constant 0 : i32
        %dma_start3A_128 = tpu.memref_slice %arg3[%add3A_124, %dma_start3A_127] : memref<204800x128xf32, #tpu.memory_space<hbm>> -> memref<128x128xf32, #tpu.memory_space<hbm>>
        tpu.enqueue_dma source(%dma_start3A_128 : memref<128x128xf32, #tpu.memory_space<hbm>>) target(%arg10 : memref<128x128xf32, #tpu.memory_space<vmem>>) target_semaphore(%arg14 : memref<!tpu.dma_semaphore, #tpu.memory_space<semaphore_mem>>)
      } else {
      }
    }
    %scan3A_27 = arith.constant 25 : i32
    %dma_wait3A = arith.constant 0 : i32
    %dma_wait3A_28 = arith.constant 0 : i32
    %dma_wait3A_29 = tpu.memref_slice %arg5[%dma_wait3A, %dma_wait3A_28] : memref<204800x128xf32, #tpu.memory_space<hbm>> -> memref<128x128xf32, #tpu.memory_space<hbm>>
    %dma_wait3A_30 = arith.constant 0 : i32
    %dma_wait3A_31 = arith.constant 0 : i32
    %dma_wait3A_32 = tpu.memref_slice %arg5[%dma_wait3A_30, %dma_wait3A_31] : memref<204800x128xf32, #tpu.memory_space<hbm>> -> memref<128x128xf32, #tpu.memory_space<hbm>>
    tpu.wait_dma2 semaphore(%arg15 : memref<!tpu.dma_semaphore, #tpu.memory_space<semaphore_mem>>) src(%arg11 : memref<128x128xf32, #tpu.memory_space<vmem>>) dst(%dma_wait3A_32 : memref<128x128xf32, #tpu.memory_space<hbm>>)
    %dma_wait3A_33 = arith.constant 0 : i32
    %dma_wait3A_34 = arith.constant 0 : i32
    %dma_wait3A_35 = tpu.memref_slice %arg5[%dma_wait3A_33, %dma_wait3A_34] : memref<204800x128xf32, #tpu.memory_space<hbm>> -> memref<128x128xf32, #tpu.memory_space<hbm>>
    %dma_wait3A_36 = arith.constant 0 : i32
    %dma_wait3A_37 = arith.constant 0 : i32
    %dma_wait3A_38 = tpu.memref_slice %arg5[%dma_wait3A_36, %dma_wait3A_37] : memref<204800x128xf32, #tpu.memory_space<hbm>> -> memref<128x128xf32, #tpu.memory_space<hbm>>
    tpu.wait_dma2 semaphore(%arg16 : memref<!tpu.dma_semaphore, #tpu.memory_space<semaphore_mem>>) src(%arg12 : memref<128x128xf32, #tpu.memory_space<vmem>>) dst(%dma_wait3A_38 : memref<128x128xf32, #tpu.memory_space<hbm>>)
    return
  }
}

</mosaic_0001>

<sc_bundles>
// kernel: kernel.4.cloned.1.call-start
scs
__scs_entry_jumppad:
0x0: {  	(pc) =	sbr.rel $0x88, $3  }
0x1: {  	(tag) =	ssettag $0x0;
	lr =	simm.s32 $0x1  }
0x2: {  	[smem:$0x3F9A] =	sst lr;
	_ =	strace $0xD0000000  }
0x3: {  	_ = 	snop  }
0x4: {  	_ = 	snop  }
0x5: {  	_ = 	snop  }
0x6: {  	_ = 	snop  }
0x7: {  	_ = 	snop  }
__scs_overlays_trampoline_lowered:
0x8: {  	[smem:$0x3FA9] =	sst s0  }
0x9: {  	[smem:$0x3FAA] =	sst s1  }
0xa: {  	[smem:$0x3FAB] =	sst s2  }
0xb: {  	[smem:$0x3FAC] =	sst s3  }
0xc: {  	[smem:$0x3FAD] =	sst s4  }
0xd: {  	[smem:$0x3FAE] =	sst s5  }
0xe: {  	[smem:$0x3FAF] =	sst s6  }
0xf: {  	[smem:$0x3FB0] =	sst s7  }
0x10: {  	[smem:$0x3FB1] =	sst s8  }
0x11: {  	[smem:$0x3FB2] =	sst s9;
	s0 =	simm.s32 @!p0 $0x0  }
0x12: {  	s1 =	sld [smem:$0x3F98];
	s0 =	simm.s32 @p0 $0x1  }
0x13: {  	[smem:$0x3FB3] =	sst s0;
	s0 =	simm.s32 @!p1 $0x0  }
0x14: {  	s2 =	sld [smem:$0x3F97];
	s0 =	simm.s32 @p1 $0x1  }
0x15: {  	[smem:$0x3FB4] =	sst s0;
	s0 =	simm.s32 @!p2 $0x0  }
0x16: {  	s3 =	sld [smem:$0x3FDB];
	s0 =	simm.s32 @p2 $0x1  }
0x17: {  	s4 =	simm.s32 $0x1BF5;
	[smem:$0x3FB6] =	sst s0  }
0x18: {  	s0 =	sld [smem:$0x3F99];
	_ =	swait.ge [sflag:s4], $0x0  }
0x19: {  	s7 =	sld [smem:$0x3F9A]  }
0x1a: {  	s8 =	sadd.s32 $0xFFFFE003, lr  }
0x1b: {  	s9 =	sadd.s32 $0xFFFFFEF7, lr;
	s5 =	simm.s32 $0xFFFFFFFF;
	p2 =	slt.u32 s8, $0xFFFFF086  }
0x1c: {  	p1 =	slt.u32 s9, $0xF7A;
	s5 =	simm.s32 @!p2 $0x0  }
0x1d: {  	s5 =	simm.s32 @p1 $0x1;
	p0 =	seq.s32 s7, s2  }
0x1e: {  	s7 =	smul.u32 @!p0 $0xF7A, s2;
	p2 =	seq.s32 @!p0 s5, $0x0  }
0x1f: {  	s9 =	smul.u32 $0xF7A, s1;
	s8 =	simm.s32 @!p0 $0x1BF5;
	p2 =	por !p2, p0  }
0x20: {  	[sflag:s8] =	ssyncset.s32 @!p0 $0xFFFFF086;
	s6 =	sadd.s32 @!p0 s3, s7;
	s7 =	simm.s32 @!p0 $0x108  }
0x21: {  	s3 =	sadd.s32 s3, s9;
	s6 =	sadd.s32 @!p0 $0x88, s6;
	s7 =	simm.s32 @p2 $0x1082  }
0x22: {  	[simem:s7], [sflag:s8] =	dma.local @!p0 [hbm:s6], $0xF7A  }
0x23: {  	s9 =	sor.u32 $0xD0000000, s2;
	s6 =	simm.s32 $0x108;
	_ =	swait.ge @!p0 [sflag:s8], $0x0  }
0x24: {  	s3 =	sadd.s32 $0x88, s3;
	s6 =	simm.s32 @!p1 $0x1082;
	[sflag:s4] =	ssyncset.s32 $0xFFFFF086  }
0x25: {  	[simem:s6], [sflag:s4] =	dma.local [hbm:s3], $0xF7A  }
0x26: {  	[smem:$0x3F9A] =	sst s1;
	(tag) =	ssettag s2;
	_ =	strace s9  }
0x27: {  	s1 =	sld [smem:$0x3FAA]  }
0x28: {  	s2 =	sld [smem:$0x3FAB]  }
0x29: {  	s4 =	sld [smem:$0x3FAD]  }
0x2a: {  	p0 =	seq.s32 s5, $0x0;
	s5 =	sld [smem:$0x3FAE]  }
0x2b: {  	s6 =	sld [smem:$0x3FAF]  }
0x2c: {  	s7 =	sld [smem:$0x3FB0]  }
0x2d: {  	s3 =	simm.s32 $0x108;
	s8 =	sld [smem:$0x3FB1]  }
0x2e: {  	s3 =	simm.s32 @!p0 $0x1082;
	s9 =	sld [smem:$0x3FB2]  }
0x2f: {  	lr =	sadd.s32 s0, s3;
	s0 =	sld [smem:$0x3FA9]  }
0x30: {  	s3 =	sld [smem:$0x3FAC]  }
0x31: {  	[smem:$0x3FB5] =	sst s10  }
0x32: {  	s10 =	sld [smem:$0x3FB3];
	_ =	sdelay $0x3  }
0x33: {  	p0 =	seq.s32 s10, $0x1;
	s10 =	sld [smem:$0x3FB5];
	_ =	sdelay $0x3  }
0x34: {  	[smem:$0x3FB5] =	sst s10  }
0x35: {  	s10 =	sld [smem:$0x3FB4];
	_ =	sdelay $0x3  }
0x36: {  	p1 =	seq.s32 s10, $0x1;
	s10 =	sld [smem:$0x3FB5];
	_ =	sdelay $0x3  }
0x37: {  	[smem:$0x3FB5] =	sst s10  }
0x38: {  	s10 =	sld [smem:$0x3FB6]  }
0x39: {  	_ = 	snop;
	(pc) =	sbr.ind lr, $3  }
0x3a: {  	_ = 	snop  }
0x3b: {  	_ = 	snop  }
0x3c: {  	p2 =	seq.s32 s10, $0x1;
	s10 =	sld [smem:$0x3FB5]  }
0x3d: {  	_ =	shalt  }
0x3e: {  	_ =	shalt  }
0x3f: {  	_ =	shalt  }
0x40: {  	_ =	shalt  }
0x41: {  	_ =	shalt  }
0x42: {  	_ =	shalt  }
0x43: {  	_ =	shalt  }
0x44: {  	_ =	shalt  }
0x45: {  	_ =	shalt  }
0x46: {  	_ =	shalt  }
0x47: {  	_ =	shalt  }
0x48: {  	_ =	shalt  }
0x49: {  	_ =	shalt  }
0x4a: {  	_ =	shalt  }
0x4b: {  	_ =	shalt  }
0x4c: {  	_ =	shalt  }
0x4d: {  	_ =	shalt  }
0x4e: {  	_ =	shalt  }
0x4f: {  	_ =	shalt  }
0x50: {  	_ =	shalt  }
0x51: {  	_ =	shalt  }
0x52: {  	_ =	shalt  }
0x53: {  	_ =	shalt  }
0x54: {  	_ =	shalt  }
0x55: {  	_ =	shalt  }
0x56: {  	_ =	shalt  }
0x57: {  	_ =	shalt  }
0x58: {  	_ =	shalt  }
0x59: {  	_ =	shalt  }
0x5a: {  	_ =	shalt  }
0x5b: {  	_ =	shalt  }
0x5c: {  	_ =	shalt  }
0x5d: {  	_ =	shalt  }
0x5e: {  	_ =	shalt  }
0x5f: {  	_ =	shalt  }
0x60: {  	_ =	shalt  }
0x61: {  	_ =	shalt  }
0x62: {  	_ =	shalt  }
0x63: {  	_ =	shalt  }
0x64: {  	_ =	shalt  }
0x65: {  	_ =	shalt  }
0x66: {  	_ =	shalt  }
0x67: {  	_ =	shalt  }
0x68: {  	_ =	shalt  }
0x69: {  	_ =	shalt  }
0x6a: {  	_ =	shalt  }
0x6b: {  	_ =	shalt  }
0x6c: {  	_ =	shalt  }
0x6d: {  	_ =	shalt  }
0x6e: {  	_ =	shalt  }
0x6f: {  	_ =	shalt  }
0x70: {  	_ =	shalt  }
0x71: {  	_ =	shalt  }
0x72: {  	_ =	shalt  }
0x73: {  	_ =	shalt  }
0x74: {  	_ =	shalt  }
0x75: {  	_ =	shalt  }
0x76: {  	_ =	shalt  }
0x77: {  	_ =	shalt  }
0x78: {  	_ =	shalt  }
0x79: {  	_ =	shalt  }
0x7a: {  	_ =	shalt  }
0x7b: {  	_ =	shalt  }
0x7c: {  	_ =	shalt  }
0x7d: {  	_ =	shalt  }
0x7e: {  	_ =	shalt  }
0x7f: {  	_ =	shalt  }
0x80: {  	_ =	shalt  }
0x81: {  	_ =	shalt  }
0x82: {  	_ =	shalt  }
0x83: {  	_ =	shalt  }
0x84: {  	_ =	shalt  }
0x85: {  	_ =	shalt  }
0x86: {  	_ =	shalt  }
0x87: {  	_ =	shalt  }
.Lfunc_end0:
.L_simem_size_0:
called_computation_lowered:
.L_overlay_start_0:
0x88: {  	s2 =	sld [smem:$0x3FD9]  }
0x89: {  	s3 =	sld [smem:$0x3FFE];
	_ =	sdelay $0x1  }
0x8a: {  	s1 =	srdreg.scid  }
0x8b: {  	s0 =	sand.u32 $0x1, s1  }
0x8c: {  	s15 =	sshll.u32 s0, $0xA;
	s2 =	sadd.s32 s3, s2  }
0x8d: {  	s2 =	sadd.s32 s2, s15  }
0x8e: {  	[smem:$0x3FC1] =	sst s2  }
0x8f: {  	_ = 	snop  }
0x90: {  	s16 =	sld [smem:$0x3FD0];
	_ =	sdelay $0x1  }
0x91: {  	s2 =	sld [smem:$0x3FC9]  }
0x92: {  	s5 =	simm.s32 $0xB;
	s6 =	simm.s32 $0x10;
	s4 =	sld [smem:$0x3FC3]  }
0x93: {  	[smem:s6], [sflag:s5] =	dma.local [hbm:s16], $0x1  }
0x94: {  	_ =	swait.eq [sflag:s5], $0x1  }
0x95: {  	[sflag:s5] =	ssyncset.done $0x0  }
0x96: {  	[sflag:s5] =	ssyncadd.s32 $0xFFFFFFFF  }
0x97: {  	s17 =	sld [smem:$0x10];
	(tm) =	ssettm $0x1  }
0x98: {  	s18 =	sld [smem:$0x3FFB];
	_ =	sdelay $0x3  }
0x99: {  	_ =	strace s18  }
0x9a: {  	s3 =	sld [smem:$0x3FFC];
	_ =	sdelay $0x3  }
0x9b: {  	_ =	strace s3  }
0x9c: {  	s3 =	sld [smem:$0x3FFD];
	_ =	sdelay $0x3  }
0x9d: {  	_ =	strace s3  }
0x9e: {  	_ =	strace $0x8FFFFFFF  }
0x9f: {  	s19 =	sld [smem:$0x3FDB];
	_ =	sdelay $0x1  }
0xa0: {  	s20 =	simm.s32 $_scs_section_size  }
0xa1: {  	s7 =	simm.s32 $_size__tile_overlayer_lowered;
	s8 =	simm.s32 $_tile_overlayer_lowered  }
0xa2: {  	s9 =	simm.s32 $0x1BFF;
	s21 =	sshll.u32 s8, $0x1;
	s6 =	sadd.s32 s20, s19  }
0xa3: {  	s22 =	simm.s32 $0x0;
	s7 =	sshll.u32 s7, $0x1;
	s8 =	sadd.s32 s21, s6  }
0xa4: {  	[timem:s22], [sflag:s9] =	dma.local [hbm:s8], s7  }
0xa5: {  	_ =	swait.ge [sflag:s9], s7  }
0xa6: {  	s7 =	ssub.s32 $0x0, s7;
	[sflag:s9] =	ssyncset.done $0x0  }
0xa7: {  	[sflag:s9] =	ssyncadd.s32 s7;
	_ =	sdelay $0x1  }
0xa8: {  	s23 =	simm.s32 $0x1B8B  }
0xa9: {  	_ =	swait.ge [sflag:s23], $0x1  }
0xaa: {  	[sflag:s23] =	ssyncset.done $0x0  }
0xab: {  	[sflag:s23] =	ssyncadd.s32 $0xFFFFFFFF  }
0xac: {  	s7 =	sld [smem:$0x0]  }
0xad: {  	s8 =	sand.u32 $0xFFFFFFFE, s1  }
0xae: {  	p0 =	sne.s32 s1, s8  }
0xaf: {  	s8 =	sshll.u32 @p0 s8, $0xE  }
0xb0: {  	s8 =	sadd.s32 @p0 $0x11B8D, s8;
	s9 =	sshll.u32 @p0 s7, $0x11  }
0xb1: {  	s8 =	sor.u32 @p0 s9, s8  }
0xb2: {  	[sflag:s8] =	ssyncadd.remote.s32 @p0 $0x1;
	_ =	sdelay $0x1  }
0xb3: {  	s8 =	simm.s32 @p0 $0x1B8D  }
0xb4: {  	_ =	swait.eq @p0 [sflag:s8], $0x1  }
0xb5: {  	[sflag:s8] =	ssyncadd.s32 @p0 $0xFFFFFFFF  }
0xb6: {  	s9 =	sshll.u32 @!p0 s1, $0xE  }
0xb7: {  	s9 =	sor.u32 @!p0 $0x4000, s9;
	s8 =	simm.s32 @!p0 $0x1B8D  }
0xb8: {  	s7 =	sshll.u32 @!p0 s7, $0x11;
	s9 =	sadd.s32 @!p0 $0x11B8D, s9;
	_ =	swait.eq @!p0 [sflag:s8], $0x1  }
0xb9: {  	s7 =	sor.u32 @!p0 s7, s9;
	[sflag:s8] =	ssyncadd.s32 @!p0 $0xFFFFFFFF  }
0xba: {  	s25 =	simm.s32 $0x1B8E;
	s24 =	sld [smem:$0x3FFE];
	[sflag:s7] =	ssyncadd.remote.s32 @!p0 $0x1  }
0xbb: {  	s26 =	simm.s32 $execute0_lowered;
	[smem:$0x3FD2] =	sst s25  }
0xbc: {  	s8 =	sshll.u32 s26, $0x1;
	_ =	strace $0x80000049;
	[dreg:$0x1] =	wrdreg $0xFFFFFFFF  }
0xbd: {  	s28 =	simm.s32 $_size_execute0_lowered;
	s6 =	sadd.s32 s6, s8;
	[dreg:$0x0] =	wrdreg $0x0  }
0xbe: {  	s8 =	sshll.u32 s28, $0x1;
	[dreg:$0x2] =	wrdreg s6  }
0xbf: {  	[dreg:$0x3] =	wrdreg s8  }
0xc0: {  	[dreg:$0x4] =	wrdreg $0xC0  }
0xc1: {  	_ =	task [dreg:s22], $0x5FFFF  }
0xc2: {  	[dreg:$0x1] =	wrdreg $0xFFFFFFFF  }
0xc3: {  	[dreg:$0x0] =	wrdreg $0x60  }
0xc4: {  	[dreg:$0x2] =	wrdreg s4  }
0xc5: {  	[dreg:$0x3] =	wrdreg s2  }
0xc6: {  	[dreg:$0x4] =	wrdreg s24  }
0xc7: {  	[dreg:$0x5] =	wrdreg s17  }
0xc8: {  	[dreg:$0x6] =	wrdreg $0x9  }
0xc9: {  	_ =	task.clear_ibuf [dreg:s22], $0x7FFFF;
	_ =	strace $0x90000049  }
0xca: {  	s29 =	simm.s32 $0x9;
	_ =	strace $0x8000004B  }
0xcb: {  	_ =	swait.ge [sflag:s29], $0x1  }
0xcc: {  	[sflag:s29] =	ssyncadd.s32 $0xFFFFFFFF  }
0xcd: {  	_ =	strace $0x9000004B  }
0xce: {  	_ =	sfence  }
0xcf: {  	s30 =	sld [smem:$0x0];
	_ =	sdelay $0x2  }
0xd0: {  	s31 =	sshll.u32 s1, $0xD;
	s1 =	sshrl.u32 s1, $0x2  }
0xd1: {  	s4 =	sand.u32 $0x4000, s31;
	s1 =	sadd.s32 s1, s30  }
0xd2: {  	s0 =	sor.u32 s4, s0;
	s1 =	sshll.u32 s1, $0x11  }
0xd3: {  	s0 =	sor.u32 s1, s0  }
0xd4: {  	s0 =	sadd.s32 $0x8F2B, s0  }
0xd5: {  	[sflag:s0] =	ssyncadd.remote.s32 $0x1  }
0xd6: {  	_ =	sfence.sel $0xFFFF  }
0xd7: {  	[dreg:$0x0] =	wrdreg $0xFFFFFFFF;
	(pc) =	sbr.abs _section_cstart, $3  }
0xd8: {  	[dreg:$0x1] =	wrdreg $0xFFFFFFFF  }
0xd9: {  	_ =	task.clear_ibuf [dreg:s22], $0x2FFFF;
	_ =	strace $0x9FFFFFFF  }
0xda: {  	(tm) =	ssettm $0x7FFFFFFF  }
0xdb: {  	_ =	shalt  }
tec
execute0_lowered:
.L_overlay_start_1:
0x0: {  	(tag) =	ssettag $0x1  }
0x1: {  	s1 =	rddreg [dreg:$0x0]  }
0x2: {  	s2 =	rddreg [dreg:$0x1]  }
0x3: {  	s3 =	srdreg.scid;
	s7 =	rddreg [dreg:$0x2]  }
0x4: {  	s0 =	stileid.u32;
	s4 =	rddreg [dreg:$0x3];
	s5 =	simm.s32 $0x0  }
0x5: {  	s13 =	simm.s32 $0x5;
	s14 =	simm.s32 $0x80;
	s15 =	simm.s32 $0x1900  }
0x6: {  	s16 =	simm.s32 $0x9900;
	s17 =	simm.s32 $0x5900;
	s18 =	simm.s32 $0xD900  }
0x7: {  	s19 =	simm.s32 $0x1;
	s20 =	simm.s32 $0x11900;
	s21 =	simm.s32 $0x2  }
0x8: {  	s22 =	simm.s32 $0x15900;
	s8 =	sand.u32 $0x1, s3;
	s31 =	sshll.u32 s0, $0x1  }
0x9: {  	s23 =	simm.s32 $0x3;
	s24 =	simm.s32 $0x4;
	s10 =	sor.u32 s8, s31  }
0xa: {  	s25 =	simm.s32 $0x0;
	s3 =	rddreg [dreg:$0x4];
	s6 =	smul.u32 $0x1900, s10  }
.Ltmp0:
0xb: {  	[smem:$0x7FF] =	sst s5;
	s8 =	ssub.s32 $0x2, s8;
	(pc) =	sbr.rel .LBB2_1-.Ltmp0, $4  }
0xc: {  	_ =	strace $0x8000004A;
	s9 =	smul.u32 $0x19000, s10;
	s12 =	sshrl.u32 s8, $0x1  }
0xd: {  	s10 =	smul.u32 $0xC8000, s10;
	s12 =	ssub.s32 s8, s12;
	s11 =	sshrl.u32 s6, $0x3  }
0xe: {  	s12 =	smax.u32 s12, $0x1;
	s11 =	sadd.s32 s11, s7;
	s7 =	sadd.s32 s2, s9  }
0xf: {  	s8 =	sadd.s32 $0x15200, s11;
	s9 =	sadd.s32 $0x800, s7;
	s11 =	sor.u32 $0x80, s6  }
.LBB2_8:
0x10: {  	s25 =	sadd.s32 $0x1, s25  }
0x11: {  	_ =	swait.ge [sflag:s23], $0x4000;
	p0 =	sne.s32 s25, s12  }
.Ltmp1:
0x12: {  	[sflag:s23] =	ssyncset.done $0x0;
	(pc) =	sbr.rel @!p0 .LBB2_9-.Ltmp1, $4  }
0x13: {  	[sflag:s23] =	ssyncadd.s32 $0xFFFFC000  }
0x14: {  	_ =	swait.ge [sflag:s24], $0x4000  }
0x15: {  	[sflag:s24] =	ssyncset.done $0x0  }
0x16: {  	[sflag:s24] =	ssyncadd.s32 $0xFFFFC000  }
.LBB2_1:
0x17: {  	[tilespmem:s5], [sflag:$0x5] =	stream.linear.gather [hbm4b:s8+s5], $0x1900, $0x38;
	[tilespmem:$0x19900] =	vst v63  }
0x18: {  	_ =	swait.ge [sflag:s13], $0x1900  }
0x19: {  	[sflag:s13] =	ssyncset.done $0x0  }
0x1a: {  	[sflag:s13] =	ssyncadd.s32 $0xFFFFE700  }
0x1b: {  	[tilespmem:s15], [sflag:$0x1] =	stream.indirect.gather [hbm4b:s1+s14], $0x80, s5, s14, $0xb8;
	[tilespmem:$0x19900] =	vst v63  }
0x1c: {  	_ = 	snop  }
0x1d: {  	[tilespmem:s16], [sflag:$0x1] =	stream.linear.gather [hbm4b:s7+s5], $0x4000, $0x38;
	[tilespmem:$0x19900] =	vst v63  }
0x1e: {  	_ = 	snop  }
0x1f: {  	[tilespmem:s17], [sflag:$0x2] =	stream.indirect.gather [hbm4b:s1+s14], $0x80, s14, s14, $0xb8;
	[tilespmem:$0x19900] =	vst v63  }
0x20: {  	s26 =	simm.s32 $0x0  }
0x21: {  	[tilespmem:s18], [sflag:$0x2] =	stream.linear.gather [hbm4b:s9+s5], $0x4000, $0x38;
	[tilespmem:$0x19900] =	vst v63  }
.LBB2_2:
0x22: {  	_ =	swait.ge [sflag:s19], $0x4000  }
0x23: {  	[sflag:s19] =	ssyncset.done $0x0  }
0x24: {  	[sflag:s19] =	ssyncadd.s32 $0xFFFFC000  }
0x25: {  	_ =	swait.ge [sflag:s19], $0x4000  }
0x26: {  	p0 =	seq.s32 s26, $0x0;
	[sflag:s19] =	ssyncset.done $0x0  }
0x27: {  	s28 =	simm.s32 @!p0 $0x3;
	[sflag:s19] =	ssyncadd.s32 $0xFFFFC000  }
0x28: {  	_ =	swait.ge @!p0 [sflag:s28], $0x4000  }
0x29: {  	[sflag:s28] =	ssyncset.done @!p0 $0x0  }
0x2a: {  	s29 =	simm.s32 $0x0;
	[sflag:s28] =	ssyncadd.s32 @!p0 $0xFFFFC000  }
0x2b: {  	v0 =	vld [tilespmem:s29+$0x1970]  }
0x2c: {  	v1 =	vld [tilespmem:s29+$0x9970]  }
0x2d: {  	v2 =	vld [tilespmem:s29+$0x1900]  }
0x2e: {  	v3 =	vld [tilespmem:s29+$0x9900]  }
0x2f: {  	v4 =	vld [tilespmem:s29+$0x1910]  }
0x30: {  	v5 =	vld [tilespmem:s29+$0x9910]  }
0x31: {  	v6 =	vld [tilespmem:s29+$0x1920]  }
0x32: {  	v7 =	vld [tilespmem:s29+$0x1930]  }
0x33: {  	v0 =	vadd.f32 v1, v0;
	v1 =	vld [tilespmem:s29+$0x9920]  }
0x34: {  	v8 =	vld [tilespmem:s29+$0x9930]  }
0x35: {  	v9 =	vld [tilespmem:s29+$0x9940];
	v2 =	vadd.f32 v3, v2  }
0x36: {  	[tilespmem:s29+$0x11970] =	vst v0;
	v0 =	vadd.f32 v5, v4;
	v5 =	vld [tilespmem:s29+$0x1940]  }
0x37: {  	v3 =	vld [tilespmem:s29+$0x9950];
	[tilespmem:s29+$0x11900] =	vst v2  }
0x38: {  	v2 =	vld [tilespmem:s29+$0x1950];
	[tilespmem:s29+$0x11910] =	vst v0;
	v0 =	vadd.f32 v1, v6  }
0x39: {  	v4 =	vld [tilespmem:s29+$0x9960];
	v6 =	vadd.f32 v8, v7  }
0x3a: {  	s30 =	simm.s32 $0x80;
	[tilespmem:s29+$0x11920] =	vst v0;
	v0 =	vld [tilespmem:s29+$0x1960]  }
0x3b: {  	s31 =	simm.s32 $0x400;
	s28 =	sshll.u32 s26, $0x8;
	v5 =	vadd.f32 v9, v5;
	v1 =	vld [tilespmem:s30+$0x1970];
	[tilespmem:s29+$0x11930] =	vst v6  }
.LBB2_3:
0x3c: {  	p1 =	sne.s32 s31, $0xFE00;
	v6 =	vld [tilespmem:s30+$0x9970]  }
0x3d: {  	v7 =	vld [tilespmem:s30+$0x1900];
	[tilespmem:s29+$0x11940] =	vst v5;
	v2 =	vadd.f32 v3, v2  }
0x3e: {  	v3 =	vld [tilespmem:s30+$0x9900]  }
0x3f: {  	v5 =	vld [tilespmem:s30+$0x1910];
	[tilespmem:s29+$0x11950] =	vst v2;
	v0 =	vadd.f32 v4, v0  }
0x40: {  	v2 =	vld [tilespmem:s30+$0x9910]  }
0x41: {  	v4 =	vld [tilespmem:s30+$0x1920];
	v1 =	vadd.f32 v6, v1;
	[tilespmem:s29+$0x11960] =	vst v0;
	s29 =	smov.u32 s30  }
0x42: {  	v0 =	vld [tilespmem:s29+$0x9920]  }
0x43: {  	v3 =	vadd.f32 v3, v7;
	v6 =	vld [tilespmem:s29+$0x1930];
	[tilespmem:s29+$0x11970] =	vst v1  }
0x44: {  	v1 =	vld [tilespmem:s29+$0x9930]  }
0x45: {  	[tilespmem:s29+$0x11900] =	vst v3;
	v2 =	vadd.f32 v2, v5;
	v5 =	vld [tilespmem:s29+$0x1940]  }
0x46: {  	v7 =	vld [tilespmem:s29+$0x9940]  }
.Ltmp2:
0x47: {  	[tilespmem:s29+$0x11910] =	vst v2;
	v0 =	vadd.f32 v0, v4;
	v2 =	vld [tilespmem:s29+$0x1950];
	(pc) =	sbr.rel @p1 .LBB2_3-.Ltmp2, $4  }
0x48: {  	v3 =	vld [tilespmem:s29+$0x9950]  }
0x49: {  	[tilespmem:s29+$0x11920] =	vst v0;
	v6 =	vadd.f32 v1, v6;
	v0 =	vld [tilespmem:s29+$0x1960]  }
0x4a: {  	s30 =	sshra.s32 s31, $0x2;
	v4 =	vld [tilespmem:s29+$0x9960]  }
0x4b: {  	s31 =	sadd.s32 $0x200, s31;
	v1 =	vld [tilespmem:s30+$0x1970];
	[tilespmem:s29+$0x11930] =	vst v6;
	v5 =	vadd.f32 v7, v5  }
0x4c: {  	v6 =	vld [tilespmem:s30+$0x9970]  }
0x4d: {  	v7 =	vld [tilespmem:s30+$0x1900];
	[tilespmem:s29+$0x11940] =	vst v5;
	v2 =	vadd.f32 v3, v2  }
0x4e: {  	v3 =	vld [tilespmem:s30+$0x9900]  }
0x4f: {  	v5 =	vld [tilespmem:s30+$0x1910];
	[tilespmem:s29+$0x11950] =	vst v2;
	v0 =	vadd.f32 v4, v0  }
0x50: {  	v2 =	vld [tilespmem:s30+$0x9910]  }
0x51: {  	v4 =	vld [tilespmem:s30+$0x1920];
	[tilespmem:s29+$0x11960] =	vst v0  }
0x52: {  	v0 =	vadd.f32 v6, v1;
	v1 =	vld [tilespmem:s30+$0x9920]  }
0x53: {  	v6 =	vld [tilespmem:s30+$0x1930]  }
0x54: {  	v3 =	vadd.f32 v3, v7;
	[tilespmem:s30+$0x11970] =	vst v0;
	v0 =	vld [tilespmem:s30+$0x9930]  }
0x55: {  	v7 =	vld [tilespmem:s30+$0x9960]  }
0x56: {  	[tilespmem:s30+$0x11900] =	vst v3;
	v2 =	vadd.f32 v2, v5;
	v3 =	vld [tilespmem:s30+$0x1940]  }
0x57: {  	v5 =	vld [tilespmem:s30+$0x9940]  }
0x58: {  	[tilespmem:s30+$0x11910] =	vst v2;
	v1 =	vadd.f32 v1, v4;
	v2 =	vld [tilespmem:s30+$0x1950]  }
0x59: {  	v4 =	vld [tilespmem:s30+$0x9950]  }
0x5a: {  	[tilespmem:s30+$0x11920] =	vst v1;
	v1 =	vld [tilespmem:s30+$0x1960];
	_ =	sdelay $0x1  }
0x5b: {  	v0 =	vadd.f32 v0, v6  }
0x5c: {  	v3 =	vadd.f32 v5, v3  }
0x5d: {  	s29 =	sshll.u32 s26, $0xF;
	[tilespmem:s30+$0x11930] =	vst v0;
	v0 =	vadd.f32 v4, v2  }
0x5e: {  	s29 =	sadd.s32 s10, s29;
	[tilespmem:s30+$0x11940] =	vst v3;
	v1 =	vadd.f32 v7, v1  }
0x5f: {  	s29 =	sshrl.u32 s29, $0x3;
	[tilespmem:s30+$0x11950] =	vst v0  }
0x60: {  	p1 =	seq.s32 s26, $0x18;
	s29 =	sadd.s32 s4, s29;
	[tilespmem:s30+$0x11960] =	vst v1  }
0x61: {  	[hbm4b:s29+s5] =	stream.linear.scatter [tilespmem:s20], [sflag:$0x3], $0x4000, $0x38;
	[tilespmem:$0x19900] =	vst v63  }
0x62: {  	s31 =	simm.s32 @!p1 $0x1900;
	s30 =	simm.s32 @!p1 $0x80;
	s29 =	sadd.s32 @!p1 $0x100, s28  }
0x63: {  	[tilespmem:s31], [sflag:$0x1] =	stream.indirect.gather @!p1 [hbm4b:s1+s30], $0x80, s29, s30, $0xb8;
	[tilespmem:$0x19900] =	vst v63  }
0x64: {  	s29 =	sadd.s32 @!p1 s6, s29  }
0x65: {  	s29 =	sshll.u32 @!p1 s29, $0x4  }
0x66: {  	s30 =	simm.s32 @!p1 $0x0;
	s31 =	simm.s32 @!p1 $0x9900;
	s29 =	sadd.s32 @!p1 s2, s29  }
0x67: {  	[tilespmem:s31], [sflag:$0x1] =	stream.linear.gather @!p1 [hbm4b:s29+s30], $0x4000, $0x38;
	[tilespmem:$0x19900] =	vst v63  }
0x68: {  	_ =	swait.ge [sflag:s21], $0x4000  }
0x69: {  	[sflag:s21] =	ssyncset.done $0x0  }
0x6a: {  	[sflag:s21] =	ssyncadd.s32 $0xFFFFC000  }
0x6b: {  	_ =	swait.ge [sflag:s21], $0x4000  }
0x6c: {  	[sflag:s21] =	ssyncset.done $0x0  }
0x6d: {  	s29 =	simm.s32 @!p0 $0x4;
	[sflag:s21] =	ssyncadd.s32 $0xFFFFC000  }
0x6e: {  	_ =	swait.ge @!p0 [sflag:s29], $0x4000  }
0x6f: {  	[sflag:s29] =	ssyncset.done @!p0 $0x0  }
0x70: {  	[sflag:s29] =	ssyncadd.s32 @!p0 $0xFFFFC000;
	s29 =	simm.s32 $0x0  }
0x71: {  	v0 =	vld [tilespmem:s29+$0x5970]  }
0x72: {  	v1 =	vld [tilespmem:s29+$0xD970]  }
0x73: {  	v2 =	vld [tilespmem:s29+$0x5900]  }
0x74: {  	v3 =	vld [tilespmem:s29+$0xD900]  }
0x75: {  	v4 =	vld [tilespmem:s29+$0x5910]  }
0x76: {  	v5 =	vld [tilespmem:s29+$0xD910]  }
0x77: {  	v6 =	vld [tilespmem:s29+$0x5920]  }
0x78: {  	v7 =	vld [tilespmem:s29+$0x5930]  }
0x79: {  	v0 =	vadd.f32 v1, v0;
	v1 =	vld [tilespmem:s29+$0xD920]  }
0x7a: {  	v8 =	vld [tilespmem:s29+$0xD930]  }
0x7b: {  	v9 =	vld [tilespmem:s29+$0xD940];
	v2 =	vadd.f32 v3, v2  }
0x7c: {  	[tilespmem:s29+$0x15970] =	vst v0;
	v0 =	vadd.f32 v5, v4;
	v5 =	vld [tilespmem:s29+$0x5940]  }
0x7d: {  	v3 =	vld [tilespmem:s29+$0xD950];
	[tilespmem:s29+$0x15900] =	vst v2  }
0x7e: {  	v2 =	vld [tilespmem:s29+$0x5950];
	[tilespmem:s29+$0x15910] =	vst v0;
	v0 =	vadd.f32 v1, v6  }
0x7f: {  	v4 =	vld [tilespmem:s29+$0xD960];
	v6 =	vadd.f32 v8, v7  }
0x80: {  	s30 =	simm.s32 $0x80;
	[tilespmem:s29+$0x15920] =	vst v0;
	v0 =	vld [tilespmem:s29+$0x5960]  }
0x81: {  	s31 =	simm.s32 $0x400;
	v5 =	vadd.f32 v9, v5;
	v1 =	vld [tilespmem:s30+$0x5970];
	[tilespmem:s29+$0x15930] =	vst v6  }
.LBB2_5:
0x82: {  	p0 =	sne.s32 s31, $0xFE00;
	v6 =	vld [tilespmem:s30+$0xD970]  }
0x83: {  	v7 =	vld [tilespmem:s30+$0x5900];
	[tilespmem:s29+$0x15940] =	vst v5;
	v2 =	vadd.f32 v3, v2  }
0x84: {  	v3 =	vld [tilespmem:s30+$0xD900]  }
0x85: {  	v5 =	vld [tilespmem:s30+$0x5910];
	[tilespmem:s29+$0x15950] =	vst v2;
	v0 =	vadd.f32 v4, v0  }
0x86: {  	v2 =	vld [tilespmem:s30+$0xD910]  }
0x87: {  	v4 =	vld [tilespmem:s30+$0x5920];
	v1 =	vadd.f32 v6, v1;
	[tilespmem:s29+$0x15960] =	vst v0;
	s29 =	smov.u32 s30  }
0x88: {  	v0 =	vld [tilespmem:s29+$0xD920]  }
0x89: {  	v3 =	vadd.f32 v3, v7;
	v6 =	vld [tilespmem:s29+$0x5930];
	[tilespmem:s29+$0x15970] =	vst v1  }
0x8a: {  	v1 =	vld [tilespmem:s29+$0xD930]  }
0x8b: {  	[tilespmem:s29+$0x15900] =	vst v3;
	v2 =	vadd.f32 v2, v5;
	v5 =	vld [tilespmem:s29+$0x5940]  }
0x8c: {  	v7 =	vld [tilespmem:s29+$0xD940]  }
.Ltmp3:
0x8d: {  	[tilespmem:s29+$0x15910] =	vst v2;
	v0 =	vadd.f32 v0, v4;
	v2 =	vld [tilespmem:s29+$0x5950];
	(pc) =	sbr.rel @p0 .LBB2_5-.Ltmp3, $4  }
0x8e: {  	v3 =	vld [tilespmem:s29+$0xD950]  }
0x8f: {  	[tilespmem:s29+$0x15920] =	vst v0;
	v6 =	vadd.f32 v1, v6;
	v0 =	vld [tilespmem:s29+$0x5960]  }
0x90: {  	s30 =	sshra.s32 s31, $0x2;
	v4 =	vld [tilespmem:s29+$0xD960]  }
0x91: {  	s31 =	sadd.s32 $0x200, s31;
	v1 =	vld [tilespmem:s30+$0x5970];
	[tilespmem:s29+$0x15930] =	vst v6;
	v5 =	vadd.f32 v7, v5  }
0x92: {  	v6 =	vld [tilespmem:s30+$0xD970]  }
0x93: {  	v7 =	vld [tilespmem:s30+$0x5900];
	[tilespmem:s29+$0x15940] =	vst v5;
	v2 =	vadd.f32 v3, v2  }
0x94: {  	v51 =	vld [tilespmem:s30+$0xD900]  }
0x95: {  	v5 =	vld [tilespmem:s30+$0x5910];
	[tilespmem:s29+$0x15950] =	vst v2;
	v0 =	vadd.f32 v4, v0  }
0x96: {  	v2 =	vld [tilespmem:s30+$0xD910]  }
0x97: {  	v52 =	vld [tilespmem:s30+$0x5920];
	[tilespmem:s29+$0x15960] =	vst v0  }
0x98: {  	v54 =	vld [tilespmem:s30+$0xD920]  }
0x99: {  	v55 =	vld [tilespmem:s30+$0x5930]  }
0x9a: {  	v56 =	vld [tilespmem:s30+$0xD930]  }
0x9b: {  	v57 =	vld [tilespmem:s30+$0x5940]  }
0x9c: {  	v58 =	vld [tilespmem:s30+$0xD940]  }
0x9d: {  	v59 =	vld [tilespmem:s30+$0x5950]  }
0x9e: {  	v53 =	vadd.f32 v6, v1;
	v60 =	vld [tilespmem:s30+$0xD950]  }
0x9f: {  	v61 =	vld [tilespmem:s30+$0x5960];
	v3 =	vadd.f32 v51, v7  }
0xa0: {  	v62 =	vld [tilespmem:s30+$0xD960];
	[tilespmem:s30+$0x15970] =	vst v53;
	v2 =	vadd.f32 v2, v5  }
0xa1: {  	[tilespmem:s30+$0x15900] =	vst v3;
	v1 =	vadd.f32 v54, v52  }
0xa2: {  	[tilespmem:s30+$0x15910] =	vst v2;
	v0 =	vadd.f32 v56, v55  }
0xa3: {  	v3 =	vadd.f32 v58, v57;
	[tilespmem:s30+$0x15920] =	vst v1  }
.Ltmp4:
0xa4: {  	v63 =	vadd.f32 v60, v59;
	[tilespmem:s30+$0x15930] =	vst v0;
	(pc) =	sbr.rel @p1 .LBB2_8-.Ltmp4, $4  }
0xa5: {  	s31 =	sadd.s32 s28, s11;
	[tilespmem:s30+$0x15940] =	vst v3;
	v1 =	vadd.f32 v62, v61  }
0xa6: {  	s29 =	sshll.u32 s31, $0x4;
	[tilespmem:s30+$0x15950] =	vst v63  }
0xa7: {  	s29 =	sadd.s32 s4, s29;
	[tilespmem:s30+$0x15960] =	vst v1  }
0xa8: {  	[hbm4b:s29+s5] =	stream.linear.scatter [tilespmem:s22], [sflag:$0x4], $0x4000, $0x38;
	[tilespmem:$0x19900] =	vst v63  }
0xa9: {  	s28 =	sadd.s32 $0x180, s28  }
0xaa: {  	[tilespmem:s17], [sflag:$0x2] =	stream.indirect.gather [hbm4b:s1+s14], $0x80, s28, s14, $0xb8;
	[tilespmem:$0x19900] =	vst v63  }
.Ltmp5:
0xab: {  	_ = 	snop;
	(pc) =	sbr.rel .LBB2_2-.Ltmp5, $4  }
0xac: {  	s28 =	sadd.s32 s6, s28  }
0xad: {  	s28 =	sshll.u32 s28, $0x4  }
0xae: {  	s26 =	sadd.s32 $0x1, s26;
	s28 =	sadd.s32 s2, s28  }
0xaf: {  	[tilespmem:s18], [sflag:$0x2] =	stream.linear.gather [hbm4b:s28+s5], $0x4000, $0x38;
	[tilespmem:$0x19900] =	vst v63  }
.LBB2_9:
0xb0: {  	_ =	sfence.sel $0x180000  }
0xb1: {  	[bflag:$0x0] =	sbarrier.arrive $0xFFFF  }
0xb2: {  	p0 =	sne.s32 s0, $0x0;
	_ =	strace $0x9000004A  }
0xb3: {  	s0 =	sadd.s32 @!p0 $0x100000, s3;
	[bflag:$0x2] =	sbarrier.arrive $0xFFFF  }
0xb4: {  	[sflag:s0] =	ssyncadd.tile.s32 @!p0 $0x1;
	_ =	shalt  }
.Lfunc_end2:
_tile_overlayer_lowered:
.L_overlay_start_2:
0xb5: {  	(tag) =	ssettag $0x2  }
0xb6: {  	s0 =	rddreg [dreg:$0x0];
	s2 =	stileid.u32  }
0xb7: {  	s1 =	rddreg [dreg:$0x1];
	p0 =	sne.s32 s2, $0x0  }
0xb8: {  	s3 =	rddreg [dreg:$0x2];
	[bflag:$0x3] =	sbarrier.arrive $0xFFFF;
	s2 =	simm.s32 @!p0 $0x1C05  }
0xb9: {  	[timem:s3], [sflag:s2] =	dma.local @!p0 [hbm:s0], s1  }
0xba: {  	s0 =	simm.s32 @!p0 $0x5  }
0xbb: {  	_ =	swait.ge @!p0 [sflag:s0], s1  }
0xbc: {  	s1 =	ssub.s32 @!p0 $0x0, s1;
	[sflag:s0] =	ssyncset.done @!p0 $0x0  }
0xbd: {  	[sflag:s0] =	ssyncadd.s32 @!p0 s1  }
0xbe: {  	[bflag:$0x3] =	sbarrier.arrive $0xFFFF  }
0xbf: {  	_ =	shalt  }

// kernel: kernel.7.cloned.1.call-start
scs
__scs_entry_jumppad:
0x0: {  	(pc) =	sbr.rel $0x88, $3  }
0x1: {  	(tag) =	ssettag $0x0;
	lr =	simm.s32 $0x1  }
0x2: {  	[smem:$0x3F9A] =	sst lr;
	_ =	strace $0xD0000000  }
0x3: {  	_ = 	snop  }
0x4: {  	_ = 	snop  }
0x5: {  	_ = 	snop  }
0x6: {  	_ = 	snop  }
0x7: {  	_ = 	snop  }
__scs_overlays_trampoline_lowered:
0x8: {  	[smem:$0x3FA9] =	sst s0  }
0x9: {  	[smem:$0x3FAA] =	sst s1  }
0xa: {  	[smem:$0x3FAB] =	sst s2  }
0xb: {  	[smem:$0x3FAC] =	sst s3  }
0xc: {  	[smem:$0x3FAD] =	sst s4  }
0xd: {  	[smem:$0x3FAE] =	sst s5  }
0xe: {  	[smem:$0x3FAF] =	sst s6  }
0xf: {  	[smem:$0x3FB0] =	sst s7  }
0x10: {  	[smem:$0x3FB1] =	sst s8  }
0x11: {  	[smem:$0x3FB2] =	sst s9;
	s0 =	simm.s32 @!p0 $0x0  }
0x12: {  	s1 =	sld [smem:$0x3F98];
	s0 =	simm.s32 @p0 $0x1  }
0x13: {  	[smem:$0x3FB3] =	sst s0;
	s0 =	simm.s32 @!p1 $0x0  }
0x14: {  	s2 =	sld [smem:$0x3F97];
	s0 =	simm.s32 @p1 $0x1  }
0x15: {  	[smem:$0x3FB4] =	sst s0;
	s0 =	simm.s32 @!p2 $0x0  }
0x16: {  	s3 =	sld [smem:$0x3FDB];
	s0 =	simm.s32 @p2 $0x1  }
0x17: {  	s4 =	simm.s32 $0x1BF5;
	[smem:$0x3FB6] =	sst s0  }
0x18: {  	s0 =	sld [smem:$0x3F99];
	_ =	swait.ge [sflag:s4], $0x0  }
0x19: {  	s7 =	sld [smem:$0x3F9A]  }
0x1a: {  	s8 =	sadd.s32 $0xFFFFE003, lr  }
0x1b: {  	s9 =	sadd.s32 $0xFFFFFEF7, lr;
	s5 =	simm.s32 $0xFFFFFFFF;
	p2 =	slt.u32 s8, $0xFFFFF086  }
0x1c: {  	p1 =	slt.u32 s9, $0xF7A;
	s5 =	simm.s32 @!p2 $0x0  }
0x1d: {  	s5 =	simm.s32 @p1 $0x1;
	p0 =	seq.s32 s7, s2  }
0x1e: {  	s7 =	smul.u32 @!p0 $0xF7A, s2;
	p2 =	seq.s32 @!p0 s5, $0x0  }
0x1f: {  	s9 =	smul.u32 $0xF7A, s1;
	s8 =	simm.s32 @!p0 $0x1BF5;
	p2 =	por !p2, p0  }
0x20: {  	[sflag:s8] =	ssyncset.s32 @!p0 $0xFFFFF086;
	s6 =	sadd.s32 @!p0 s3, s7;
	s7 =	simm.s32 @!p0 $0x108  }
0x21: {  	s3 =	sadd.s32 s3, s9;
	s6 =	sadd.s32 @!p0 $0x88, s6;
	s7 =	simm.s32 @p2 $0x1082  }
0x22: {  	[simem:s7], [sflag:s8] =	dma.local @!p0 [hbm:s6], $0xF7A  }
0x23: {  	s9 =	sor.u32 $0xD0000000, s2;
	s6 =	simm.s32 $0x108;
	_ =	swait.ge @!p0 [sflag:s8], $0x0  }
0x24: {  	s3 =	sadd.s32 $0x88, s3;
	s6 =	simm.s32 @!p1 $0x1082;
	[sflag:s4] =	ssyncset.s32 $0xFFFFF086  }
0x25: {  	[simem:s6], [sflag:s4] =	dma.local [hbm:s3], $0xF7A  }
0x26: {  	[smem:$0x3F9A] =	sst s1;
	(tag) =	ssettag s2;
	_ =	strace s9  }
0x27: {  	s1 =	sld [smem:$0x3FAA]  }
0x28: {  	s2 =	sld [smem:$0x3FAB]  }
0x29: {  	s4 =	sld [smem:$0x3FAD]  }
0x2a: {  	p0 =	seq.s32 s5, $0x0;
	s5 =	sld [smem:$0x3FAE]  }
0x2b: {  	s6 =	sld [smem:$0x3FAF]  }
0x2c: {  	s7 =	sld [smem:$0x3FB0]  }
0x2d: {  	s3 =	simm.s32 $0x108;
	s8 =	sld [smem:$0x3FB1]  }
0x2e: {  	s3 =	simm.s32 @!p0 $0x1082;
	s9 =	sld [smem:$0x3FB2]  }
0x2f: {  	lr =	sadd.s32 s0, s3;
	s0 =	sld [smem:$0x3FA9]  }
0x30: {  	s3 =	sld [smem:$0x3FAC]  }
0x31: {  	[smem:$0x3FB5] =	sst s10  }
0x32: {  	s10 =	sld [smem:$0x3FB3];
	_ =	sdelay $0x3  }
0x33: {  	p0 =	seq.s32 s10, $0x1;
	s10 =	sld [smem:$0x3FB5];
	_ =	sdelay $0x3  }
0x34: {  	[smem:$0x3FB5] =	sst s10  }
0x35: {  	s10 =	sld [smem:$0x3FB4];
	_ =	sdelay $0x3  }
0x36: {  	p1 =	seq.s32 s10, $0x1;
	s10 =	sld [smem:$0x3FB5];
	_ =	sdelay $0x3  }
0x37: {  	[smem:$0x3FB5] =	sst s10  }
0x38: {  	s10 =	sld [smem:$0x3FB6]  }
0x39: {  	_ = 	snop;
	(pc) =	sbr.ind lr, $3  }
0x3a: {  	_ = 	snop  }
0x3b: {  	_ = 	snop  }
0x3c: {  	p2 =	seq.s32 s10, $0x1;
	s10 =	sld [smem:$0x3FB5]  }
0x3d: {  	_ =	shalt  }
0x3e: {  	_ =	shalt  }
0x3f: {  	_ =	shalt  }
0x40: {  	_ =	shalt  }
0x41: {  	_ =	shalt  }
0x42: {  	_ =	shalt  }
0x43: {  	_ =	shalt  }
0x44: {  	_ =	shalt  }
0x45: {  	_ =	shalt  }
0x46: {  	_ =	shalt  }
0x47: {  	_ =	shalt  }
0x48: {  	_ =	shalt  }
0x49: {  	_ =	shalt  }
0x4a: {  	_ =	shalt  }
0x4b: {  	_ =	shalt  }
0x4c: {  	_ =	shalt  }
0x4d: {  	_ =	shalt  }
0x4e: {  	_ =	shalt  }
0x4f: {  	_ =	shalt  }
0x50: {  	_ =	shalt  }
0x51: {  	_ =	shalt  }
0x52: {  	_ =	shalt  }
0x53: {  	_ =	shalt  }
0x54: {  	_ =	shalt  }
0x55: {  	_ =	shalt  }
0x56: {  	_ =	shalt  }
0x57: {  	_ =	shalt  }
0x58: {  	_ =	shalt  }
0x59: {  	_ =	shalt  }
0x5a: {  	_ =	shalt  }
0x5b: {  	_ =	shalt  }
0x5c: {  	_ =	shalt  }
0x5d: {  	_ =	shalt  }
0x5e: {  	_ =	shalt  }
0x5f: {  	_ =	shalt  }
0x60: {  	_ =	shalt  }
0x61: {  	_ =	shalt  }
0x62: {  	_ =	shalt  }
0x63: {  	_ =	shalt  }
0x64: {  	_ =	shalt  }
0x65: {  	_ =	shalt  }
0x66: {  	_ =	shalt  }
0x67: {  	_ =	shalt  }
0x68: {  	_ =	shalt  }
0x69: {  	_ =	shalt  }
0x6a: {  	_ =	shalt  }
0x6b: {  	_ =	shalt  }
0x6c: {  	_ =	shalt  }
0x6d: {  	_ =	shalt  }
0x6e: {  	_ =	shalt  }
0x6f: {  	_ =	shalt  }
0x70: {  	_ =	shalt  }
0x71: {  	_ =	shalt  }
0x72: {  	_ =	shalt  }
0x73: {  	_ =	shalt  }
0x74: {  	_ =	shalt  }
0x75: {  	_ =	shalt  }
0x76: {  	_ =	shalt  }
0x77: {  	_ =	shalt  }
0x78: {  	_ =	shalt  }
0x79: {  	_ =	shalt  }
0x7a: {  	_ =	shalt  }
0x7b: {  	_ =	shalt  }
0x7c: {  	_ =	shalt  }
0x7d: {  	_ =	shalt  }
0x7e: {  	_ =	shalt  }
0x7f: {  	_ =	shalt  }
0x80: {  	_ =	shalt  }
0x81: {  	_ =	shalt  }
0x82: {  	_ =	shalt  }
0x83: {  	_ =	shalt  }
0x84: {  	_ =	shalt  }
0x85: {  	_ =	shalt  }
0x86: {  	_ =	shalt  }
0x87: {  	_ =	shalt  }
.Lfunc_end0:
.L_simem_size_0:
called_computation.1_lowered:
.L_overlay_start_0:
0x88: {  	s2 =	sld [smem:$0x3FD9]  }
0x89: {  	s3 =	sld [smem:$0x3FFE];
	_ =	sdelay $0x1  }
0x8a: {  	s1 =	srdreg.scid  }
0x8b: {  	s0 =	sand.u32 $0x1, s1  }
0x8c: {  	s14 =	sshll.u32 s0, $0xA;
	s2 =	sadd.s32 s3, s2  }
0x8d: {  	s2 =	sadd.s32 s2, s14  }
0x8e: {  	[smem:$0x3FC1] =	sst s2  }
0x8f: {  	_ = 	snop  }
0x90: {  	s2 =	sld [smem:$0x3FD0];
	_ =	sdelay $0x2  }
0x91: {  	s15 =	simm.s32 $0xB;
	s4 =	simm.s32 $0x10  }
0x92: {  	[smem:s4], [sflag:s15] =	dma.local [hbm:s2], $0x1  }
0x93: {  	_ =	swait.eq [sflag:s15], $0x1  }
0x94: {  	[sflag:s15] =	ssyncset.done $0x0  }
0x95: {  	[sflag:s15] =	ssyncadd.s32 $0xFFFFFFFF  }
0x96: {  	s16 =	sld [smem:$0x11];
	(tm) =	ssettm $0x1  }
0x97: {  	s17 =	sld [smem:$0x3FFB];
	_ =	sdelay $0x3  }
0x98: {  	_ =	strace s17  }
0x99: {  	s3 =	sld [smem:$0x3FFC];
	_ =	sdelay $0x3  }
0x9a: {  	_ =	strace s3  }
0x9b: {  	s3 =	sld [smem:$0x3FFD];
	_ =	sdelay $0x3  }
0x9c: {  	_ =	strace s3  }
0x9d: {  	_ =	strace $0x8FFFFFFF  }
0x9e: {  	s18 =	sld [smem:$0x3FDB];
	_ =	sdelay $0x1  }
0x9f: {  	s19 =	simm.s32 $_scs_section_size  }
0xa0: {  	s5 =	simm.s32 $_size__tile_overlayer_lowered;
	s6 =	simm.s32 $_tile_overlayer_lowered  }
0xa1: {  	s22 =	simm.s32 $0x1BFF;
	s21 =	sshll.u32 s6, $0x1;
	s3 =	sadd.s32 s19, s18  }
0xa2: {  	s7 =	simm.s32 $0x0;
	s20 =	sshll.u32 s5, $0x1;
	s5 =	sadd.s32 s21, s3  }
0xa3: {  	[timem:s7], [sflag:s22] =	dma.local [hbm:s5], s20  }
0xa4: {  	_ =	swait.ge [sflag:s22], s20  }
0xa5: {  	s4 =	ssub.s32 $0x0, s20;
	[sflag:s22] =	ssyncset.done $0x0  }
0xa6: {  	[sflag:s22] =	ssyncadd.s32 s4;
	_ =	sdelay $0x1  }
0xa7: {  	s23 =	simm.s32 $0x1B8B  }
0xa8: {  	_ =	swait.ge [sflag:s23], $0x1  }
0xa9: {  	[sflag:s23] =	ssyncset.done $0x0  }
0xaa: {  	s25 =	simm.s32 $0x1B8E;
	s24 =	sld [smem:$0x3FFE];
	[sflag:s23] =	ssyncadd.s32 $0xFFFFFFFF  }
0xab: {  	s26 =	simm.s32 $execute0_lowered;
	[smem:$0x3FD2] =	sst s25  }
0xac: {  	s5 =	sshll.u32 s26, $0x1;
	_ =	strace $0x80000046;
	[dreg:$0x1] =	wrdreg $0xFFFFFFFF  }
0xad: {  	s28 =	simm.s32 $_size_execute0_lowered;
	s3 =	sadd.s32 s3, s5;
	[dreg:$0x0] =	wrdreg $0x0  }
0xae: {  	s5 =	sshll.u32 s28, $0x1;
	[dreg:$0x2] =	wrdreg s3  }
0xaf: {  	[dreg:$0x3] =	wrdreg s5  }
0xb0: {  	[dreg:$0x4] =	wrdreg $0xC0  }
0xb1: {  	_ =	task [dreg:s7], $0x5FFFF  }
0xb2: {  	[dreg:$0x1] =	wrdreg $0xFFFFFFFF  }
0xb3: {  	[dreg:$0x0] =	wrdreg $0x60  }
0xb4: {  	[dreg:$0x2] =	wrdreg s24  }
0xb5: {  	[dreg:$0x3] =	wrdreg s16  }
0xb6: {  	[dreg:$0x4] =	wrdreg $0x1B2000  }
0xb7: {  	[dreg:$0x5] =	wrdreg $0x1D1400  }
0xb8: {  	[dreg:$0x6] =	wrdreg $0xA  }
0xb9: {  	_ =	task.clear_ibuf [dreg:s7], $0x7FFFF;
	_ =	strace $0x90000046  }
0xba: {  	s29 =	simm.s32 $0xA;
	_ =	strace $0x80000048  }
0xbb: {  	_ =	swait.ge [sflag:s29], $0x1  }
0xbc: {  	[sflag:s29] =	ssyncadd.s32 $0xFFFFFFFF  }
0xbd: {  	_ =	strace $0x90000048  }
0xbe: {  	_ =	sfence  }
0xbf: {  	s30 =	sld [smem:$0x0];
	_ =	sdelay $0x2  }
0xc0: {  	s31 =	sshll.u32 s1, $0xD;
	s1 =	sshrl.u32 s1, $0x2  }
0xc1: {  	s3 =	sand.u32 $0x4000, s31;
	s1 =	sadd.s32 s1, s30  }
0xc2: {  	s0 =	sor.u32 s3, s0;
	s1 =	sshll.u32 s1, $0x11  }
0xc3: {  	s0 =	sor.u32 s1, s0  }
0xc4: {  	s0 =	sadd.s32 $0x8F2B, s0  }
0xc5: {  	[sflag:s0] =	ssyncadd.remote.s32 $0x1  }
0xc6: {  	_ =	sfence.sel $0xFFFF  }
0xc7: {  	[dreg:$0x0] =	wrdreg $0xFFFFFFFF;
	(pc) =	sbr.abs _section_cstart, $3  }
0xc8: {  	[dreg:$0x1] =	wrdreg $0xFFFFFFFF  }
0xc9: {  	_ =	task.clear_ibuf [dreg:s7], $0x2FFFF;
	_ =	strace $0x9FFFFFFF  }
0xca: {  	(tm) =	ssettm $0x7FFFFFFF  }
0xcb: {  	_ =	shalt  }
tec
execute0_lowered:
.L_overlay_start_1:
0x0: {  	(tag) =	ssettag $0x1  }
0x1: {  	s2 =	rddreg [dreg:$0x0]  }
0x2: {  	s0 =	rddreg [dreg:$0x1]  }
0x3: {  	s1 =	rddreg [dreg:$0x2];
	s4 =	srdreg.scid  }
0x4: {  	s5 =	stileid.u32;
	s3 =	rddreg [dreg:$0x3]  }
0x5: {  	s16 =	simm.s32 $0xA;
	s18 =	simm.s32 $0x40;
	s30 =	simm.s32 $0x9200  }
0x6: {  	s19 =	simm.s32 $0x1;
	s20 =	simm.s32 $0x13200;
	s21 =	simm.s32 $0x2  }
0x7: {  	s22 =	simm.s32 $0x15200;
	s23 =	simm.s32 $0x3;
	s24 =	simm.s32 $0x17200  }
0x8: {  	s28 =	simm.s32 $0x5;
	s29 =	simm.s32 $0x6;
	s31 =	simm.s32 $0x7  }
0x9: {  	s6 =	sand.u32 $0x1, s4;
	s7 =	sshll.u32 s5, $0x1;
	s4 =	simm.s32 $0x0  }
0xa: {  	s9 =	sadd.s32 $0xA00, s2;
	s11 =	sadd.s32 $0x4A00, s2;
	p0 =	sne.s32 s5, $0x0  }
0xb: {  	s5 =	simm.s32 $0x8;
	s7 =	sor.u32 s6, s7;
	[smem:$0x7FF] =	sst s4  }
0xc: {  	s6 =	ssub.s32 $0x2, s6;
	s15 =	sshrl.u32 @!p0 s3, $0x3;
	s8 =	smul.u32 $0x1900, s7  }
0xd: {  	_ =	strace $0x80000047;
	[dreg:$0x5] =	wrdreg s9;
	s10 =	sshrl.u32 s6, $0x1  }
0xe: {  	[dreg:$0x6] =	wrdreg s11;
	s6 =	ssub.s32 s6, s10;
	s25 =	sshrl.u32 s8, $0x3  }
0xf: {  	s10 =	sor.u32 $0x40, s8;
	s11 =	sor.u32 $0x80, s8;
	s12 =	sor.u32 $0xC0, s8  }
.Ltmp0:
0x10: {  	s26 =	smax.u32 s6, $0x1;
	s2 =	sadd.s32 s25, s2;
	(pc) =	sbr.rel .LBB2_1-.Ltmp0, $4  }
0x11: {  	s6 =	simm.s32 $0x0;
	[dreg:$0x9] =	wrdreg s26;
	s9 =	sadd.s32 $0x8A00, s2  }
0x12: {  	s25 =	simm.s32 $0x4;
	s2 =	sadd.s32 $0xEE00, s2;
	[dreg:$0x7] =	wrdreg s9  }
0x13: {  	s26 =	simm.s32 $0x19200;
	[dreg:$0x8] =	wrdreg s2;
	s2 =	sshrl.u32 @!p0 s1, $0x3  }
0x14: {  	s9 =	smul.u32 $0xC8000, s7;
	[dreg:$0xa] =	wrdreg s2;
	s2 =	simm.s32 $0x11200  }
.LBB2_12:
0x15: {  	_ =	swait.ge [sflag:s28], $0x2000  }
0x16: {  	[sflag:s28] =	ssyncset.done $0x0  }
0x17: {  	[sflag:s28] =	ssyncadd.s32 $0xFFFFE000  }
0x18: {  	_ =	swait.ge [sflag:s29], $0x2000  }
0x19: {  	[sflag:s29] =	ssyncset.done $0x0  }
0x1a: {  	[sflag:s29] =	ssyncadd.s32 $0xFFFFE000  }
0x1b: {  	_ =	swait.ge [sflag:s31], $0x2000  }
0x1c: {  	[sflag:s31] =	ssyncset.done $0x0  }
0x1d: {  	[sflag:s31] =	ssyncadd.s32 $0xFFFFE000  }
0x1e: {  	_ =	swait.ge [sflag:s5], $0x2000  }
0x1f: {  	s6 =	sadd.s32 $0x1, s6;
	s7 =	rddreg [dreg:$0x9]  }
0x20: {  	p1 =	sne.s32 s6, s7  }
.Ltmp1:
0x21: {  	_ = 	snop;
	(pc) =	sbr.rel @!p1 .LBB2_13-.Ltmp1, $3  }
0x22: {  	_ =	sdelay $0x1  }
0x23: {  	[sflag:s5] =	ssyncset.done $0x0  }
0x24: {  	[sflag:s5] =	ssyncadd.s32 $0xFFFFE000  }
.LBB2_1:
0x25: {  	s8 =	rddreg [dreg:$0x5]  }
0x26: {  	s7 =	simm.s32 @!p0 $0x1C09;
	s13 =	rddreg [dreg:$0xa]  }
0x27: {  	[spmem:s13], [sflag:s7] =	dma.local @!p0 [hbm:s8], $0x3E80  }
0x28: {  	s8 =	rddreg [dreg:$0x6]  }
0x29: {  	[spmem:s15], [sflag:s7] =	dma.local @!p0 [hbm:s8], $0x3E80  }
0x2a: {  	s7 =	simm.s32 @!p0 $0x9  }
0x2b: {  	_ =	swait.ge @!p0 [sflag:s7], $0x3E80  }
0x2c: {  	[sflag:s7] =	ssyncset.done @!p0 $0x0  }
0x2d: {  	[sflag:s7] =	ssyncadd.s32 @!p0 $0xFFFFC180  }
0x2e: {  	_ =	swait.ge @!p0 [sflag:s7], $0x3E80  }
0x2f: {  	[sflag:s7] =	ssyncset.done @!p0 $0x0  }
0x30: {  	[sflag:s7] =	ssyncadd.s32 @!p0 $0xFFFFC180  }
0x31: {  	[bflag:$0x0] =	sbarrier.arrive $0xFFFF  }
0x32: {  	s13 =	rddreg [dreg:$0x7]  }
0x33: {  	[tilespmem:s4], [sflag:$0xA] =	stream.linear.gather [hbm4b:s13+s4], $0x1900, $0x38;
	[tilespmem:$0x1F080] =	vst v63  }
0x34: {  	_ =	swait.ge [sflag:s16], $0x1900  }
0x35: {  	[sflag:s16] =	ssyncset.done $0x0  }
0x36: {  	s17 =	simm.s32 $0x1900;
	s14 =	rddreg [dreg:$0x8];
	[sflag:s16] =	ssyncadd.s32 $0xFFFFE700  }
0x37: {  	[tilespmem:s17], [sflag:$0xA] =	stream.linear.gather [hbm4b:s14+s4], $0x1900, $0x38;
	[tilespmem:$0x1F080] =	vst v63  }
0x38: {  	_ =	swait.ge [sflag:s16], $0x1900  }
0x39: {  	[sflag:s16] =	ssyncset.done $0x0  }
0x3a: {  	s13 =	simm.s32 $0x3200;
	[sflag:s16] =	ssyncadd.s32 $0xFFFFE700  }
0x3b: {  	[tilespmem:s13], [sflag:$0x1] =	stream.indirect.gather [spmem:s1], $0x80, s4, s18, $0xb8;
	[tilespmem:$0x1F080] =	vst v63  }
0x3c: {  	s14 =	simm.s32 $0xB200  }
0x3d: {  	[tilespmem:s14], [sflag:$0x1] =	stream.indirect.gather [spmem:s3], $0x80, s17, s18, $0xb8;
	[tilespmem:$0x1F080] =	vst v63  }
0x3e: {  	s17 =	simm.s32 $0x5200  }
0x3f: {  	[tilespmem:s17], [sflag:$0x2] =	stream.indirect.gather [spmem:s1], $0x80, s18, s18, $0xb8;
	[tilespmem:$0x1F080] =	vst v63  }
0x40: {  	s8 =	simm.s32 $0x1940;
	s13 =	simm.s32 $0xD200  }
0x41: {  	[tilespmem:s13], [sflag:$0x2] =	stream.indirect.gather [spmem:s3], $0x80, s8, s18, $0xb8;
	[tilespmem:$0x1F080] =	vst v63  }
0x42: {  	s14 =	simm.s32 $0x80;
	s17 =	simm.s32 $0x7200  }
0x43: {  	[tilespmem:s17], [sflag:$0x3] =	stream.indirect.gather [spmem:s1], $0x80, s14, s18, $0xb8;
	[tilespmem:$0x1F080] =	vst v63  }
0x44: {  	s8 =	simm.s32 $0x1980;
	s13 =	simm.s32 $0xF200  }
0x45: {  	[tilespmem:s13], [sflag:$0x3] =	stream.indirect.gather [spmem:s3], $0x80, s8, s18, $0xb8;
	[tilespmem:$0x1F080] =	vst v63  }
0x46: {  	s14 =	simm.s32 $0xC0  }
0x47: {  	[tilespmem:s30], [sflag:$0x4] =	stream.indirect.gather [spmem:s1], $0x80, s14, s18, $0xb8;
	[tilespmem:$0x1F080] =	vst v63  }
0x48: {  	s7 =	simm.s32 $0x0;
	s17 =	simm.s32 $0x19C0  }
0x49: {  	[tilespmem:s2], [sflag:$0x4] =	stream.indirect.gather [spmem:s3], $0x80, s17, s18, $0xb8;
	[tilespmem:$0x1F080] =	vst v63  }
.LBB2_2:
0x4a: {  	_ =	swait.ge [sflag:s19], $0x2000  }
0x4b: {  	[sflag:s19] =	ssyncset.done $0x0  }
0x4c: {  	[sflag:s19] =	ssyncadd.s32 $0xFFFFE000  }
0x4d: {  	_ =	swait.ge [sflag:s19], $0x2000  }
0x4e: {  	p1 =	seq.s32 s7, $0x0;
	[sflag:s19] =	ssyncset.done $0x0  }
0x4f: {  	s8 =	simm.s32 @!p1 $0x5;
	[sflag:s19] =	ssyncadd.s32 $0xFFFFE000  }
0x50: {  	_ =	swait.ge @!p1 [sflag:s8], $0x2000  }
0x51: {  	[sflag:s8] =	ssyncset.done @!p1 $0x0  }
0x52: {  	[sflag:s8] =	ssyncadd.s32 @!p1 $0xFFFFE000;
	s8 =	simm.s32 $0x0  }
0x53: {  	v0 =	vld [tilespmem:s8+$0x3270]  }
0x54: {  	v1 =	vld [tilespmem:s8+$0xB270]  }
0x55: {  	v2 =	vld [tilespmem:s8+$0x3200]  }
0x56: {  	v3 =	vld [tilespmem:s8+$0xB200]  }
0x57: {  	v4 =	vld [tilespmem:s8+$0x3210]  }
0x58: {  	v5 =	vld [tilespmem:s8+$0xB210]  }
0x59: {  	v6 =	vld [tilespmem:s8+$0x3220]  }
0x5a: {  	v7 =	vld [tilespmem:s8+$0x3230]  }
0x5b: {  	v0 =	vadd.f32 v1, v0;
	v1 =	vld [tilespmem:s8+$0xB220]  }
0x5c: {  	v8 =	vld [tilespmem:s8+$0xB230]  }
0x5d: {  	v9 =	vld [tilespmem:s8+$0xB240];
	v2 =	vadd.f32 v3, v2  }
0x5e: {  	[tilespmem:s8+$0x13270] =	vst v0;
	v0 =	vadd.f32 v5, v4;
	v5 =	vld [tilespmem:s8+$0x3240]  }
0x5f: {  	v3 =	vld [tilespmem:s8+$0xB250];
	[tilespmem:s8+$0x13200] =	vst v2  }
0x60: {  	v2 =	vld [tilespmem:s8+$0x3250];
	[tilespmem:s8+$0x13210] =	vst v0;
	v0 =	vadd.f32 v1, v6  }
0x61: {  	v4 =	vld [tilespmem:s8+$0xB260];
	v6 =	vadd.f32 v8, v7  }
0x62: {  	s13 =	simm.s32 $0x80;
	[tilespmem:s8+$0x13220] =	vst v0;
	v0 =	vld [tilespmem:s8+$0x3260]  }
0x63: {  	s17 =	sshll.u32 s7, $0x8;
	s14 =	simm.s32 $0x400;
	v5 =	vadd.f32 v9, v5;
	v1 =	vld [tilespmem:s13+$0x3270];
	[tilespmem:s8+$0x13230] =	vst v6  }
.LBB2_3:
0x64: {  	p2 =	sne.s32 s14, $0x7E00;
	v6 =	vld [tilespmem:s13+$0xB270]  }
0x65: {  	v7 =	vld [tilespmem:s13+$0x3200];
	[tilespmem:s8+$0x13240] =	vst v5;
	v2 =	vadd.f32 v3, v2  }
0x66: {  	v3 =	vld [tilespmem:s13+$0xB200]  }
0x67: {  	v5 =	vld [tilespmem:s13+$0x3210];
	[tilespmem:s8+$0x13250] =	vst v2;
	v0 =	vadd.f32 v4, v0  }
0x68: {  	v2 =	vld [tilespmem:s13+$0xB210]  }
0x69: {  	v4 =	vld [tilespmem:s13+$0x3220];
	v1 =	vadd.f32 v6, v1;
	[tilespmem:s8+$0x13260] =	vst v0;
	s8 =	smov.u32 s13  }
0x6a: {  	v0 =	vld [tilespmem:s8+$0xB220]  }
0x6b: {  	v3 =	vadd.f32 v3, v7;
	v6 =	vld [tilespmem:s8+$0x3230];
	[tilespmem:s8+$0x13270] =	vst v1  }
0x6c: {  	v1 =	vld [tilespmem:s8+$0xB230]  }
0x6d: {  	[tilespmem:s8+$0x13200] =	vst v3;
	v2 =	vadd.f32 v2, v5;
	v5 =	vld [tilespmem:s8+$0x3240]  }
0x6e: {  	v7 =	vld [tilespmem:s8+$0xB240]  }
.Ltmp2:
0x6f: {  	[tilespmem:s8+$0x13210] =	vst v2;
	v0 =	vadd.f32 v0, v4;
	v2 =	vld [tilespmem:s8+$0x3250];
	(pc) =	sbr.rel @p2 .LBB2_3-.Ltmp2, $4  }
0x70: {  	v3 =	vld [tilespmem:s8+$0xB250]  }
0x71: {  	[tilespmem:s8+$0x13220] =	vst v0;
	v6 =	vadd.f32 v1, v6;
	v0 =	vld [tilespmem:s8+$0x3260]  }
0x72: {  	s13 =	sshra.s32 s14, $0x2;
	v4 =	vld [tilespmem:s8+$0xB260]  }
0x73: {  	s14 =	sadd.s32 $0x200, s14;
	v1 =	vld [tilespmem:s13+$0x3270];
	[tilespmem:s8+$0x13230] =	vst v6;
	v5 =	vadd.f32 v7, v5  }
0x74: {  	v6 =	vld [tilespmem:s13+$0xB270]  }
0x75: {  	v7 =	vld [tilespmem:s13+$0x3200];
	[tilespmem:s8+$0x13240] =	vst v5;
	v2 =	vadd.f32 v3, v2  }
0x76: {  	v3 =	vld [tilespmem:s13+$0xB200]  }
0x77: {  	v5 =	vld [tilespmem:s13+$0x3210];
	[tilespmem:s8+$0x13250] =	vst v2;
	v0 =	vadd.f32 v4, v0  }
0x78: {  	v2 =	vld [tilespmem:s13+$0xB210]  }
0x79: {  	v4 =	vld [tilespmem:s13+$0x3220];
	[tilespmem:s8+$0x13260] =	vst v0  }
0x7a: {  	v0 =	vadd.f32 v6, v1;
	v1 =	vld [tilespmem:s13+$0xB220]  }
0x7b: {  	v6 =	vld [tilespmem:s13+$0x3230]  }
0x7c: {  	v3 =	vadd.f32 v3, v7;
	[tilespmem:s13+$0x13270] =	vst v0;
	v0 =	vld [tilespmem:s13+$0xB230]  }
0x7d: {  	v7 =	vld [tilespmem:s13+$0xB260]  }
0x7e: {  	[tilespmem:s13+$0x13200] =	vst v3;
	v2 =	vadd.f32 v2, v5;
	v3 =	vld [tilespmem:s13+$0x3240]  }
0x7f: {  	v5 =	vld [tilespmem:s13+$0xB240]  }
0x80: {  	[tilespmem:s13+$0x13210] =	vst v2;
	v1 =	vadd.f32 v1, v4;
	v2 =	vld [tilespmem:s13+$0x3250]  }
0x81: {  	v4 =	vld [tilespmem:s13+$0xB250]  }
0x82: {  	[tilespmem:s13+$0x13220] =	vst v1;
	v1 =	vld [tilespmem:s13+$0x3260];
	_ =	sdelay $0x1  }
0x83: {  	v0 =	vadd.f32 v0, v6  }
0x84: {  	v3 =	vadd.f32 v5, v3  }
0x85: {  	s14 =	sshll.u32 s7, $0xF;
	[tilespmem:s13+$0x13230] =	vst v0;
	v0 =	vadd.f32 v4, v2  }
0x86: {  	s8 =	sadd.s32 s9, s14;
	[tilespmem:s13+$0x13240] =	vst v3;
	v1 =	vadd.f32 v7, v1  }
0x87: {  	s8 =	sshrl.u32 s8, $0x3;
	[tilespmem:s13+$0x13250] =	vst v0  }
0x88: {  	p2 =	seq.s32 s7, $0x18;
	s8 =	sadd.s32 s0, s8;
	[tilespmem:s13+$0x13260] =	vst v1  }
0x89: {  	[hbm4b:s8+s4] =	stream.linear.scatter [tilespmem:s20], [sflag:$0x5], $0x2000, $0x38;
	[tilespmem:$0x1F080] =	vst v63  }
0x8a: {  	s14 =	simm.s32 @!p2 $0x3200;
	s13 =	simm.s32 @!p2 $0x40;
	s8 =	sadd.s32 @!p2 $0x100, s17  }
0x8b: {  	[tilespmem:s14], [sflag:$0x1] =	stream.indirect.gather @!p2 [spmem:s1], $0x80, s8, s13, $0xb8;
	[tilespmem:$0x1F080] =	vst v63  }
0x8c: {  	s8 =	sadd.s32 @!p2 $0x1A00, s17;
	s14 =	simm.s32 @!p2 $0xB200  }
0x8d: {  	[tilespmem:s14], [sflag:$0x1] =	stream.indirect.gather @!p2 [spmem:s3], $0x80, s8, s13, $0xb8;
	[tilespmem:$0x1F080] =	vst v63  }
0x8e: {  	_ =	swait.ge [sflag:s21], $0x2000  }
0x8f: {  	[sflag:s21] =	ssyncset.done $0x0  }
0x90: {  	[sflag:s21] =	ssyncadd.s32 $0xFFFFE000  }
0x91: {  	_ =	swait.ge [sflag:s21], $0x2000  }
0x92: {  	[sflag:s21] =	ssyncset.done $0x0  }
0x93: {  	s8 =	simm.s32 @!p1 $0x6;
	[sflag:s21] =	ssyncadd.s32 $0xFFFFE000  }
0x94: {  	_ =	swait.ge @!p1 [sflag:s8], $0x2000  }
0x95: {  	[sflag:s8] =	ssyncset.done @!p1 $0x0  }
0x96: {  	[sflag:s8] =	ssyncadd.s32 @!p1 $0xFFFFE000;
	s8 =	simm.s32 $0x0  }
0x97: {  	v0 =	vld [tilespmem:s8+$0x5270]  }
0x98: {  	v1 =	vld [tilespmem:s8+$0xD270]  }
0x99: {  	v2 =	vld [tilespmem:s8+$0x5200]  }
0x9a: {  	v3 =	vld [tilespmem:s8+$0xD200]  }
0x9b: {  	v4 =	vld [tilespmem:s8+$0x5210]  }
0x9c: {  	v5 =	vld [tilespmem:s8+$0xD210]  }
0x9d: {  	v6 =	vld [tilespmem:s8+$0x5220]  }
0x9e: {  	v7 =	vld [tilespmem:s8+$0x5230]  }
0x9f: {  	v0 =	vadd.f32 v1, v0;
	v1 =	vld [tilespmem:s8+$0xD220]  }
0xa0: {  	v8 =	vld [tilespmem:s8+$0xD230]  }
0xa1: {  	v9 =	vld [tilespmem:s8+$0xD240];
	v2 =	vadd.f32 v3, v2  }
0xa2: {  	[tilespmem:s8+$0x15270] =	vst v0;
	v0 =	vadd.f32 v5, v4;
	v5 =	vld [tilespmem:s8+$0x5240]  }
0xa3: {  	v3 =	vld [tilespmem:s8+$0xD250];
	[tilespmem:s8+$0x15200] =	vst v2  }
0xa4: {  	v2 =	vld [tilespmem:s8+$0x5250];
	[tilespmem:s8+$0x15210] =	vst v0;
	v0 =	vadd.f32 v1, v6  }
0xa5: {  	v4 =	vld [tilespmem:s8+$0xD260];
	v6 =	vadd.f32 v8, v7  }
0xa6: {  	s13 =	simm.s32 $0x80;
	[tilespmem:s8+$0x15220] =	vst v0;
	v0 =	vld [tilespmem:s8+$0x5260]  }
0xa7: {  	s14 =	simm.s32 $0x400;
	v5 =	vadd.f32 v9, v5;
	v1 =	vld [tilespmem:s13+$0x5270];
	[tilespmem:s8+$0x15230] =	vst v6  }
.LBB2_5:
0xa8: {  	p3 =	sne.s32 s14, $0x7E00;
	v6 =	vld [tilespmem:s13+$0xD270]  }
0xa9: {  	v7 =	vld [tilespmem:s13+$0x5200];
	[tilespmem:s8+$0x15240] =	vst v5;
	v2 =	vadd.f32 v3, v2  }
0xaa: {  	v3 =	vld [tilespmem:s13+$0xD200]  }
0xab: {  	v5 =	vld [tilespmem:s13+$0x5210];
	[tilespmem:s8+$0x15250] =	vst v2;
	v0 =	vadd.f32 v4, v0  }
0xac: {  	v2 =	vld [tilespmem:s13+$0xD210]  }
0xad: {  	v4 =	vld [tilespmem:s13+$0x5220];
	v1 =	vadd.f32 v6, v1;
	[tilespmem:s8+$0x15260] =	vst v0;
	s8 =	smov.u32 s13  }
0xae: {  	v0 =	vld [tilespmem:s8+$0xD220]  }
0xaf: {  	v3 =	vadd.f32 v3, v7;
	v6 =	vld [tilespmem:s8+$0x5230];
	[tilespmem:s8+$0x15270] =	vst v1  }
0xb0: {  	v1 =	vld [tilespmem:s8+$0xD230]  }
0xb1: {  	[tilespmem:s8+$0x15200] =	vst v3;
	v2 =	vadd.f32 v2, v5;
	v5 =	vld [tilespmem:s8+$0x5240]  }
0xb2: {  	v7 =	vld [tilespmem:s8+$0xD240]  }
.Ltmp3:
0xb3: {  	[tilespmem:s8+$0x15210] =	vst v2;
	v0 =	vadd.f32 v0, v4;
	v2 =	vld [tilespmem:s8+$0x5250];
	(pc) =	sbr.rel @p3 .LBB2_5-.Ltmp3, $4  }
0xb4: {  	v3 =	vld [tilespmem:s8+$0xD250]  }
0xb5: {  	[tilespmem:s8+$0x15220] =	vst v0;
	v6 =	vadd.f32 v1, v6;
	v0 =	vld [tilespmem:s8+$0x5260]  }
0xb6: {  	s13 =	sshra.s32 s14, $0x2;
	v4 =	vld [tilespmem:s8+$0xD260]  }
0xb7: {  	s14 =	sadd.s32 $0x200, s14;
	v1 =	vld [tilespmem:s13+$0x5270];
	[tilespmem:s8+$0x15230] =	vst v6;
	v5 =	vadd.f32 v7, v5  }
0xb8: {  	v6 =	vld [tilespmem:s13+$0xD270]  }
0xb9: {  	v7 =	vld [tilespmem:s13+$0x5200];
	[tilespmem:s8+$0x15240] =	vst v5;
	v2 =	vadd.f32 v3, v2  }
0xba: {  	v3 =	vld [tilespmem:s13+$0xD200]  }
0xbb: {  	v5 =	vld [tilespmem:s13+$0x5210];
	[tilespmem:s8+$0x15250] =	vst v2;
	v0 =	vadd.f32 v4, v0  }
0xbc: {  	v2 =	vld [tilespmem:s13+$0xD210]  }
0xbd: {  	v4 =	vld [tilespmem:s13+$0x5220];
	[tilespmem:s8+$0x15260] =	vst v0  }
0xbe: {  	v0 =	vadd.f32 v6, v1;
	v1 =	vld [tilespmem:s13+$0xD220]  }
0xbf: {  	v6 =	vld [tilespmem:s13+$0x5230]  }
0xc0: {  	v3 =	vadd.f32 v3, v7;
	[tilespmem:s13+$0x15270] =	vst v0;
	v0 =	vld [tilespmem:s13+$0xD230]  }
0xc1: {  	v7 =	vld [tilespmem:s13+$0xD260]  }
0xc2: {  	[tilespmem:s13+$0x15200] =	vst v3;
	v2 =	vadd.f32 v2, v5;
	v3 =	vld [tilespmem:s13+$0x5240]  }
0xc3: {  	v5 =	vld [tilespmem:s13+$0xD240]  }
0xc4: {  	[tilespmem:s13+$0x15210] =	vst v2;
	v1 =	vadd.f32 v1, v4;
	v2 =	vld [tilespmem:s13+$0x5250]  }
0xc5: {  	v4 =	vld [tilespmem:s13+$0xD250]  }
0xc6: {  	[tilespmem:s13+$0x15220] =	vst v1;
	v1 =	vld [tilespmem:s13+$0x5260];
	_ =	sdelay $0x1  }
0xc7: {  	v0 =	vadd.f32 v0, v6  }
0xc8: {  	v3 =	vadd.f32 v5, v3  }
0xc9: {  	[tilespmem:s13+$0x15230] =	vst v0;
	v0 =	vadd.f32 v4, v2  }
0xca: {  	s14 =	sadd.s32 s17, s10;
	[tilespmem:s13+$0x15240] =	vst v3;
	v1 =	vadd.f32 v7, v1  }
0xcb: {  	s8 =	sshll.u32 s14, $0x4;
	[tilespmem:s13+$0x15250] =	vst v0  }
0xcc: {  	s8 =	sadd.s32 s0, s8;
	[tilespmem:s13+$0x15260] =	vst v1  }
0xcd: {  	[hbm4b:s8+s4] =	stream.linear.scatter [tilespmem:s22], [sflag:$0x6], $0x2000, $0x38;
	[tilespmem:$0x1F080] =	vst v63  }
0xce: {  	s14 =	simm.s32 @!p2 $0x5200;
	s13 =	simm.s32 @!p2 $0x40;
	s8 =	sadd.s32 @!p2 $0x140, s17  }
0xcf: {  	[tilespmem:s14], [sflag:$0x2] =	stream.indirect.gather @!p2 [spmem:s1], $0x80, s8, s13, $0xb8;
	[tilespmem:$0x1F080] =	vst v63  }
0xd0: {  	s8 =	sadd.s32 @!p2 $0x1A40, s17;
	s14 =	simm.s32 @!p2 $0xD200  }
0xd1: {  	[tilespmem:s14], [sflag:$0x2] =	stream.indirect.gather @!p2 [spmem:s3], $0x80, s8, s13, $0xb8;
	[tilespmem:$0x1F080] =	vst v63  }
0xd2: {  	_ =	swait.ge [sflag:s23], $0x2000  }
0xd3: {  	[sflag:s23] =	ssyncset.done $0x0  }
0xd4: {  	[sflag:s23] =	ssyncadd.s32 $0xFFFFE000  }
0xd5: {  	_ =	swait.ge [sflag:s23], $0x2000  }
0xd6: {  	[sflag:s23] =	ssyncset.done $0x0  }
0xd7: {  	s8 =	simm.s32 @!p1 $0x7;
	[sflag:s23] =	ssyncadd.s32 $0xFFFFE000  }
0xd8: {  	_ =	swait.ge @!p1 [sflag:s8], $0x2000  }
0xd9: {  	[sflag:s8] =	ssyncset.done @!p1 $0x0  }
0xda: {  	[sflag:s8] =	ssyncadd.s32 @!p1 $0xFFFFE000;
	s8 =	simm.s32 $0x0  }
0xdb: {  	v0 =	vld [tilespmem:s8+$0x7270]  }
0xdc: {  	v1 =	vld [tilespmem:s8+$0xF270]  }
0xdd: {  	v2 =	vld [tilespmem:s8+$0x7200]  }
0xde: {  	v3 =	vld [tilespmem:s8+$0xF200]  }
0xdf: {  	v4 =	vld [tilespmem:s8+$0x7210]  }
0xe0: {  	v5 =	vld [tilespmem:s8+$0xF210]  }
0xe1: {  	v6 =	vld [tilespmem:s8+$0x7220]  }
0xe2: {  	v7 =	vld [tilespmem:s8+$0x7230]  }
0xe3: {  	v0 =	vadd.f32 v1, v0;
	v1 =	vld [tilespmem:s8+$0xF220]  }
0xe4: {  	v8 =	vld [tilespmem:s8+$0xF230]  }
0xe5: {  	v9 =	vld [tilespmem:s8+$0xF240];
	v2 =	vadd.f32 v3, v2  }
0xe6: {  	[tilespmem:s8+$0x17270] =	vst v0;
	v0 =	vadd.f32 v5, v4;
	v5 =	vld [tilespmem:s8+$0x7240]  }
0xe7: {  	v3 =	vld [tilespmem:s8+$0xF250];
	[tilespmem:s8+$0x17200] =	vst v2  }
0xe8: {  	v2 =	vld [tilespmem:s8+$0x7250];
	[tilespmem:s8+$0x17210] =	vst v0;
	v0 =	vadd.f32 v1, v6  }
0xe9: {  	v4 =	vld [tilespmem:s8+$0xF260];
	v6 =	vadd.f32 v8, v7  }
0xea: {  	s13 =	simm.s32 $0x80;
	[tilespmem:s8+$0x17220] =	vst v0;
	v0 =	vld [tilespmem:s8+$0x7260]  }
0xeb: {  	s14 =	simm.s32 $0x400;
	v5 =	vadd.f32 v9, v5;
	v1 =	vld [tilespmem:s13+$0x7270];
	[tilespmem:s8+$0x17230] =	vst v6  }
.LBB2_7:
0xec: {  	p3 =	sne.s32 s14, $0x7E00;
	v6 =	vld [tilespmem:s13+$0xF270]  }
0xed: {  	v7 =	vld [tilespmem:s13+$0x7200];
	[tilespmem:s8+$0x17240] =	vst v5;
	v2 =	vadd.f32 v3, v2  }
0xee: {  	v3 =	vld [tilespmem:s13+$0xF200]  }
0xef: {  	v5 =	vld [tilespmem:s13+$0x7210];
	[tilespmem:s8+$0x17250] =	vst v2;
	v0 =	vadd.f32 v4, v0  }
0xf0: {  	v2 =	vld [tilespmem:s13+$0xF210]  }
0xf1: {  	v4 =	vld [tilespmem:s13+$0x7220];
	v1 =	vadd.f32 v6, v1;
	[tilespmem:s8+$0x17260] =	vst v0;
	s8 =	smov.u32 s13  }
0xf2: {  	v0 =	vld [tilespmem:s8+$0xF220]  }
0xf3: {  	v3 =	vadd.f32 v3, v7;
	v6 =	vld [tilespmem:s8+$0x7230];
	[tilespmem:s8+$0x17270] =	vst v1  }
0xf4: {  	v1 =	vld [tilespmem:s8+$0xF230]  }
0xf5: {  	[tilespmem:s8+$0x17200] =	vst v3;
	v2 =	vadd.f32 v2, v5;
	v5 =	vld [tilespmem:s8+$0x7240]  }
0xf6: {  	v7 =	vld [tilespmem:s8+$0xF240]  }
.Ltmp4:
0xf7: {  	[tilespmem:s8+$0x17210] =	vst v2;
	v0 =	vadd.f32 v0, v4;
	v2 =	vld [tilespmem:s8+$0x7250];
	(pc) =	sbr.rel @p3 .LBB2_7-.Ltmp4, $4  }
0xf8: {  	v3 =	vld [tilespmem:s8+$0xF250]  }
0xf9: {  	[tilespmem:s8+$0x17220] =	vst v0;
	v6 =	vadd.f32 v1, v6;
	v0 =	vld [tilespmem:s8+$0x7260]  }
0xfa: {  	s13 =	sshra.s32 s14, $0x2;
	v4 =	vld [tilespmem:s8+$0xF260]  }
0xfb: {  	s14 =	sadd.s32 $0x200, s14;
	v1 =	vld [tilespmem:s13+$0x7270];
	[tilespmem:s8+$0x17230] =	vst v6;
	v5 =	vadd.f32 v7, v5  }
0xfc: {  	v6 =	vld [tilespmem:s13+$0xF270]  }
0xfd: {  	v7 =	vld [tilespmem:s13+$0x7200];
	[tilespmem:s8+$0x17240] =	vst v5;
	v2 =	vadd.f32 v3, v2  }
0xfe: {  	v3 =	vld [tilespmem:s13+$0xF200]  }
0xff: {  	v5 =	vld [tilespmem:s13+$0x7210];
	[tilespmem:s8+$0x17250] =	vst v2;
	v0 =	vadd.f32 v4, v0  }
0x100: {  	v2 =	vld [tilespmem:s13+$0xF210]  }
0x101: {  	v4 =	vld [tilespmem:s13+$0x7220];
	[tilespmem:s8+$0x17260] =	vst v0  }
0x102: {  	v0 =	vadd.f32 v6, v1;
	v1 =	vld [tilespmem:s13+$0xF220]  }
0x103: {  	v6 =	vld [tilespmem:s13+$0x7230]  }
0x104: {  	v3 =	vadd.f32 v3, v7;
	[tilespmem:s13+$0x17270] =	vst v0;
	v0 =	vld [tilespmem:s13+$0xF230]  }
0x105: {  	v7 =	vld [tilespmem:s13+$0xF260]  }
0x106: {  	[tilespmem:s13+$0x17200] =	vst v3;
	v2 =	vadd.f32 v2, v5;
	v3 =	vld [tilespmem:s13+$0x7240]  }
0x107: {  	v5 =	vld [tilespmem:s13+$0xF240]  }
0x108: {  	[tilespmem:s13+$0x17210] =	vst v2;
	v1 =	vadd.f32 v1, v4;
	v2 =	vld [tilespmem:s13+$0x7250]  }
0x109: {  	v4 =	vld [tilespmem:s13+$0xF250]  }
0x10a: {  	[tilespmem:s13+$0x17220] =	vst v1;
	v1 =	vld [tilespmem:s13+$0x7260];
	_ =	sdelay $0x1  }
0x10b: {  	v0 =	vadd.f32 v0, v6  }
0x10c: {  	v3 =	vadd.f32 v5, v3  }
0x10d: {  	[tilespmem:s13+$0x17230] =	vst v0;
	v0 =	vadd.f32 v4, v2  }
0x10e: {  	s14 =	sadd.s32 s17, s11;
	[tilespmem:s13+$0x17240] =	vst v3;
	v1 =	vadd.f32 v7, v1  }
0x10f: {  	s8 =	sshll.u32 s14, $0x4;
	[tilespmem:s13+$0x17250] =	vst v0  }
0x110: {  	s8 =	sadd.s32 s0, s8;
	[tilespmem:s13+$0x17260] =	vst v1  }
0x111: {  	[hbm4b:s8+s4] =	stream.linear.scatter [tilespmem:s24], [sflag:$0x7], $0x2000, $0x38;
	[tilespmem:$0x1F080] =	vst v63  }
0x112: {  	s14 =	simm.s32 @!p2 $0x7200;
	s13 =	simm.s32 @!p2 $0x40;
	s8 =	sadd.s32 @!p2 $0x180, s17  }
0x113: {  	[tilespmem:s14], [sflag:$0x3] =	stream.indirect.gather @!p2 [spmem:s1], $0x80, s8, s13, $0xb8;
	[tilespmem:$0x1F080] =	vst v63  }
0x114: {  	s8 =	sadd.s32 @!p2 $0x1A80, s17;
	s14 =	simm.s32 @!p2 $0xF200  }
0x115: {  	[tilespmem:s14], [sflag:$0x3] =	stream.indirect.gather @!p2 [spmem:s3], $0x80, s8, s13, $0xb8;
	[tilespmem:$0x1F080] =	vst v63  }
0x116: {  	_ =	swait.ge [sflag:s25], $0x2000  }
0x117: {  	[sflag:s25] =	ssyncset.done $0x0  }
0x118: {  	[sflag:s25] =	ssyncadd.s32 $0xFFFFE000  }
0x119: {  	_ =	swait.ge [sflag:s25], $0x2000  }
0x11a: {  	[sflag:s25] =	ssyncset.done $0x0  }
0x11b: {  	s8 =	simm.s32 @!p1 $0x8;
	[sflag:s25] =	ssyncadd.s32 $0xFFFFE000  }
0x11c: {  	_ =	swait.ge @!p1 [sflag:s8], $0x2000  }
0x11d: {  	[sflag:s8] =	ssyncset.done @!p1 $0x0  }
0x11e: {  	[sflag:s8] =	ssyncadd.s32 @!p1 $0xFFFFE000;
	s8 =	simm.s32 $0x0  }
0x11f: {  	v0 =	vld [tilespmem:s8+$0x9270]  }
0x120: {  	v1 =	vld [tilespmem:s8+$0x11270]  }
0x121: {  	v2 =	vld [tilespmem:s8+$0x9200]  }
0x122: {  	v3 =	vld [tilespmem:s8+$0x11200]  }
0x123: {  	v4 =	vld [tilespmem:s8+$0x9210]  }
0x124: {  	v5 =	vld [tilespmem:s8+$0x11210]  }
0x125: {  	v6 =	vld [tilespmem:s8+$0x9220]  }
0x126: {  	v7 =	vld [tilespmem:s8+$0x9230]  }
0x127: {  	v0 =	vadd.f32 v1, v0;
	v1 =	vld [tilespmem:s8+$0x11220]  }
0x128: {  	v8 =	vld [tilespmem:s8+$0x11230]  }
0x129: {  	v9 =	vld [tilespmem:s8+$0x11240];
	v2 =	vadd.f32 v3, v2  }
0x12a: {  	[tilespmem:s8+$0x19270] =	vst v0;
	v0 =	vadd.f32 v5, v4;
	v5 =	vld [tilespmem:s8+$0x9240]  }
0x12b: {  	v3 =	vld [tilespmem:s8+$0x11250];
	[tilespmem:s8+$0x19200] =	vst v2  }
0x12c: {  	v2 =	vld [tilespmem:s8+$0x9250];
	[tilespmem:s8+$0x19210] =	vst v0;
	v0 =	vadd.f32 v1, v6  }
0x12d: {  	v4 =	vld [tilespmem:s8+$0x11260];
	v6 =	vadd.f32 v8, v7  }
0x12e: {  	s13 =	simm.s32 $0x80;
	[tilespmem:s8+$0x19220] =	vst v0;
	v0 =	vld [tilespmem:s8+$0x9260]  }
0x12f: {  	s14 =	simm.s32 $0x400;
	v5 =	vadd.f32 v9, v5;
	v1 =	vld [tilespmem:s13+$0x9270];
	[tilespmem:s8+$0x19230] =	vst v6  }
.LBB2_9:
0x130: {  	p1 =	sne.s32 s14, $0x7E00;
	v6 =	vld [tilespmem:s13+$0x11270]  }
0x131: {  	v7 =	vld [tilespmem:s13+$0x9200];
	[tilespmem:s8+$0x19240] =	vst v5;
	v2 =	vadd.f32 v3, v2  }
0x132: {  	v3 =	vld [tilespmem:s13+$0x11200]  }
0x133: {  	v5 =	vld [tilespmem:s13+$0x9210];
	[tilespmem:s8+$0x19250] =	vst v2;
	v0 =	vadd.f32 v4, v0  }
0x134: {  	v2 =	vld [tilespmem:s13+$0x11210]  }
0x135: {  	v4 =	vld [tilespmem:s13+$0x9220];
	v1 =	vadd.f32 v6, v1;
	[tilespmem:s8+$0x19260] =	vst v0;
	s8 =	smov.u32 s13  }
0x136: {  	v0 =	vld [tilespmem:s8+$0x11220]  }
0x137: {  	v3 =	vadd.f32 v3, v7;
	v6 =	vld [tilespmem:s8+$0x9230];
	[tilespmem:s8+$0x19270] =	vst v1  }
0x138: {  	v1 =	vld [tilespmem:s8+$0x11230]  }
0x139: {  	[tilespmem:s8+$0x19200] =	vst v3;
	v2 =	vadd.f32 v2, v5;
	v5 =	vld [tilespmem:s8+$0x9240]  }
0x13a: {  	v7 =	vld [tilespmem:s8+$0x11240]  }
.Ltmp5:
0x13b: {  	[tilespmem:s8+$0x19210] =	vst v2;
	v0 =	vadd.f32 v0, v4;
	v2 =	vld [tilespmem:s8+$0x9250];
	(pc) =	sbr.rel @p1 .LBB2_9-.Ltmp5, $4  }
0x13c: {  	v3 =	vld [tilespmem:s8+$0x11250]  }
0x13d: {  	[tilespmem:s8+$0x19220] =	vst v0;
	v6 =	vadd.f32 v1, v6;
	v0 =	vld [tilespmem:s8+$0x9260]  }
0x13e: {  	s13 =	sshra.s32 s14, $0x2;
	v4 =	vld [tilespmem:s8+$0x11260]  }
0x13f: {  	s14 =	sadd.s32 $0x200, s14;
	v1 =	vld [tilespmem:s13+$0x9270];
	[tilespmem:s8+$0x19230] =	vst v6;
	v5 =	vadd.f32 v7, v5  }
0x140: {  	v6 =	vld [tilespmem:s13+$0x11270]  }
0x141: {  	v7 =	vld [tilespmem:s13+$0x9200];
	[tilespmem:s8+$0x19240] =	vst v5;
	v2 =	vadd.f32 v3, v2  }
0x142: {  	v51 =	vld [tilespmem:s13+$0x11200]  }
0x143: {  	v5 =	vld [tilespmem:s13+$0x9210];
	[tilespmem:s8+$0x19250] =	vst v2;
	v0 =	vadd.f32 v4, v0  }
0x144: {  	v2 =	vld [tilespmem:s13+$0x11210]  }
0x145: {  	v52 =	vld [tilespmem:s13+$0x9220];
	[tilespmem:s8+$0x19260] =	vst v0  }
0x146: {  	v54 =	vld [tilespmem:s13+$0x11220]  }
0x147: {  	v55 =	vld [tilespmem:s13+$0x9230]  }
0x148: {  	v56 =	vld [tilespmem:s13+$0x11230]  }
0x149: {  	v57 =	vld [tilespmem:s13+$0x9240]  }
0x14a: {  	v58 =	vld [tilespmem:s13+$0x11240]  }
0x14b: {  	v59 =	vld [tilespmem:s13+$0x9250]  }
0x14c: {  	v53 =	vadd.f32 v6, v1;
	v60 =	vld [tilespmem:s13+$0x11250]  }
0x14d: {  	v61 =	vld [tilespmem:s13+$0x9260];
	v3 =	vadd.f32 v51, v7  }
0x14e: {  	v62 =	vld [tilespmem:s13+$0x11260];
	[tilespmem:s13+$0x19270] =	vst v53;
	v2 =	vadd.f32 v2, v5  }
0x14f: {  	[tilespmem:s13+$0x19200] =	vst v3;
	v1 =	vadd.f32 v54, v52  }
0x150: {  	[tilespmem:s13+$0x19210] =	vst v2;
	v0 =	vadd.f32 v56, v55  }
0x151: {  	v3 =	vadd.f32 v58, v57;
	[tilespmem:s13+$0x19220] =	vst v1  }
.Ltmp6:
0x152: {  	v63 =	vadd.f32 v60, v59;
	[tilespmem:s13+$0x19230] =	vst v0;
	(pc) =	sbr.rel @p2 .LBB2_12-.Ltmp6, $4  }
0x153: {  	s14 =	sadd.s32 s17, s12;
	[tilespmem:s13+$0x19240] =	vst v3;
	v1 =	vadd.f32 v62, v61  }
0x154: {  	s8 =	sshll.u32 s14, $0x4;
	[tilespmem:s13+$0x19250] =	vst v63  }
0x155: {  	s8 =	sadd.s32 s0, s8;
	[tilespmem:s13+$0x19260] =	vst v1  }
0x156: {  	[hbm4b:s8+s4] =	stream.linear.scatter [tilespmem:s26], [sflag:$0x8], $0x2000, $0x38;
	[tilespmem:$0x1F080] =	vst v63  }
.Ltmp7:
0x157: {  	(pc) =	sbr.rel .LBB2_2-.Ltmp7, $4  }
0x158: {  	s8 =	sadd.s32 $0x1C0, s17  }
0x159: {  	[tilespmem:s30], [sflag:$0x4] =	stream.indirect.gather [spmem:s1], $0x80, s8, s18, $0xb8;
	[tilespmem:$0x1F080] =	vst v63  }
0x15a: {  	s17 =	sadd.s32 $0x1AC0, s17;
	s7 =	sadd.s32 $0x1, s7  }
0x15b: {  	[tilespmem:s2], [sflag:$0x4] =	stream.indirect.gather [spmem:s3], $0x80, s17, s18, $0xb8;
	[tilespmem:$0x1F080] =	vst v63  }
.LBB2_13:
0x15c: {  	_ =	sfence.sel $0x180000  }
0x15d: {  	[bflag:$0x0] =	sbarrier.arrive $0xFFFF  }
0x15e: {  	_ =	strace $0x90000047  }
0x15f: {  	[bflag:$0x2] =	sbarrier.arrive $0xFFFF  }
0x160: {  	s0 =	rddreg [dreg:$0x4]  }
0x161: {  	s0 =	sadd.s32 @!p0 $0x100000, s0  }
0x162: {  	[sflag:s0] =	ssyncadd.tile.s32 @!p0 $0x1;
	_ =	shalt  }
.Lfunc_end2:
_tile_overlayer_lowered:
.L_overlay_start_2:
0x163: {  	(tag) =	ssettag $0x2  }
0x164: {  	s0 =	rddreg [dreg:$0x0];
	s2 =	stileid.u32  }
0x165: {  	s1 =	rddreg [dreg:$0x1];
	p0 =	sne.s32 s2, $0x0  }
0x166: {  	s3 =	rddreg [dreg:$0x2];
	[bflag:$0x3] =	sbarrier.arrive $0xFFFF;
	s2 =	simm.s32 @!p0 $0x1C0A  }
0x167: {  	[timem:s3], [sflag:s2] =	dma.local @!p0 [hbm:s0], s1  }
0x168: {  	s0 =	simm.s32 @!p0 $0xA  }
0x169: {  	_ =	swait.ge @!p0 [sflag:s0], s1  }
0x16a: {  	s1 =	ssub.s32 @!p0 $0x0, s1;
	[sflag:s0] =	ssyncset.done @!p0 $0x0  }
0x16b: {  	[sflag:s0] =	ssyncadd.s32 @!p0 s1  }
0x16c: {  	[bflag:$0x3] =	sbarrier.arrive $0xFFFF  }
0x16d: {  	_ =	shalt  }

</sc_bundles>
